<compile_context>
chip_gen: v7x
topology: tpu7x:2x2x1
jax: 0.10.2.dev20260603
libtpu: 0.0.44.dev20260713+nightly
codegen_flags: <defaults>
</compile_context>

<pallas_src>
import functools

import jax
import jax.numpy as jnp
from jax import lax
from jax.experimental import pallas as pl
from jax.experimental.pallas import tpu as pltpu
from jax.experimental.pallas import tpu_sc as plsc

NC = 2
NS = 16
NW = NC * NS


def _make_gather(batch: int, hist: int, vocab: int, d: int):
    rows_per_w = batch // NW
    K = 12
    F = 8
    N = rows_per_w
    assert (N - K - F) % K == 0
    nround = (N - K - F) // K
    mesh = plsc.VectorSubcoreMesh(core_axis_name="c", subcore_axis_name="s")

    @functools.partial(
        pl.kernel,
        mesh=mesh,
        out_type=jax.ShapeDtypeStruct((batch, hist, d), jnp.float32),
        scratch_types=[
            pltpu.VMEM((rows_per_w, hist), jnp.int32),
        ]
        + [pltpu.VMEM((hist, d), jnp.float32) for _ in range(K)]
        + [pltpu.SemaphoreType.DMA for _ in range(K)],
    )
    def gather_kernel(table_hbm, idx_hbm, out_hbm, idx_v, *scratch):
        bufs = scratch[:K]
        sems = scratch[K:]
        wid = lax.axis_index("s") * NC + lax.axis_index("c")
        base = wid * rows_per_w
        pltpu.sync_copy(idx_hbm.at[pl.ds(base, rows_per_w)], idx_v)

        def gstart(i, s):
            pltpu.async_copy(table_hbm.at[idx_v.at[i]], bufs[s], sems[s])

        def gwait(i, s):
            pltpu.make_async_copy(table_hbm.at[idx_v.at[i]], bufs[s], sems[s]).wait()

        def sstart(i, s):
            pltpu.async_copy(bufs[s], out_hbm.at[base + i], sems[s])

        def swait(i, s):
            pltpu.make_async_copy(bufs[s], out_hbm.at[base + i], sems[s]).wait()


        for r in range(F):
            gstart(r, r % K)

        for i in range(K):
            gwait(i, i % K)
            sstart(i, i % K)
            j = i + F
            if j >= K:
                swait(j - K, j % K)
            gstart(j, j % K)

        def round_body(g, _):
            i0 = K + g * K
            for t in range(K):
                i = i0 + t
                gwait(i, t)
                sstart(i, t)
                sj = (t + F) % K
                swait(i + F - K, sj)
                gstart(i + F, sj)
            return _

        lax.fori_loop(0, nround, round_body, 0, unroll=False)

        for e in range(F):
            i = N - F + e
            gwait(i, i % K)
            sstart(i, i % K)

        for r in range(N - K, N):
            swait(r, r % K)

    return gather_kernel


def kernel(indices, table):
    b, h = indices.shape
    v, d = table.shape
    return _make_gather(b, h, v, d)(table, indices)

# --- scband reference (transcript-rebuilt; emitter-appended) ---
"""Pipeline reference for scband-agent-29094108463510 (READ-ONLY COPY).

The authoritative reference and input builder live on the scoring server;
editing this copy changes nothing except your own understanding.
"""

import jax, jax.numpy as jnp
import numpy as np

VOCAB = 100000
EMBED_DIM = 128
TABLE_ROWS = VOCAB + 2
BATCH = 4096
HIST = 50


def setup_inputs(seed: int = 0) -> dict:
    key = jax.random.key(seed)
    k_idx, k_tab = jax.random.split(key)
    indices = jax.random.randint(k_idx, (BATCH, HIST), 0, TABLE_ROWS, dtype=jnp.int32)
    # Embedding table (learned parameter), glorot-uniform-like init
    limit = np.sqrt(6.0 / (TABLE_ROWS + EMBED_DIM))
    table = jax.random.uniform(k_tab, (TABLE_ROWS, EMBED_DIM), dtype=jnp.float32, minval=-limit, maxval=limit)
    return {"indices": indices, "table": table}


def reference(indices, table):
    # Faithful embedding lookup: keras Embedding.__call__ -> gather rows of table
    out = jnp.take(table, indices, axis=0)  # [BATCH, HIST, EMBED_DIM]
    return out

if __name__ == "__main__":
    import jax
    _d = setup_inputs()
    print(jax.jit(kernel)(*tuple(_d.values())))

</pallas_src>

<mosaic_0001>
#map = affine_map<(d0, d1) -> (0, 0)>
#map1 = affine_map<(d0, d1) -> (0, 0, 0)>
module attributes {stable_mosaic.version = 14 : i64} {
  func.func @gather_kernel(%arg0: i32, %arg1: i32, %arg2: memref<100002x128xf32, #tpu.memory_space<hbm>>, %arg3: memref<4096x50xi32, #tpu.memory_space<hbm>>, %arg4: memref<4096x50x128xf32, #tpu.memory_space<hbm>>, %arg5: memref<128x50xi32, #tpu.memory_space<vmem>>, %arg6: memref<50x128xf32, #tpu.memory_space<vmem>>, %arg7: memref<50x128xf32, #tpu.memory_space<vmem>>, %arg8: memref<50x128xf32, #tpu.memory_space<vmem>>, %arg9: memref<50x128xf32, #tpu.memory_space<vmem>>, %arg10: memref<50x128xf32, #tpu.memory_space<vmem>>, %arg11: memref<50x128xf32, #tpu.memory_space<vmem>>, %arg12: memref<50x128xf32, #tpu.memory_space<vmem>>, %arg13: memref<50x128xf32, #tpu.memory_space<vmem>>, %arg14: memref<50x128xf32, #tpu.memory_space<vmem>>, %arg15: memref<50x128xf32, #tpu.memory_space<vmem>>, %arg16: memref<50x128xf32, #tpu.memory_space<vmem>>, %arg17: memref<50x128xf32, #tpu.memory_space<vmem>>, %arg18: memref<!tpu.dma_semaphore, #tpu.memory_space<semaphore_mem>>, %arg19: memref<!tpu.dma_semaphore, #tpu.memory_space<semaphore_mem>>, %arg20: memref<!tpu.dma_semaphore, #tpu.memory_space<semaphore_mem>>, %arg21: memref<!tpu.dma_semaphore, #tpu.memory_space<semaphore_mem>>, %arg22: memref<!tpu.dma_semaphore, #tpu.memory_space<semaphore_mem>>, %arg23: memref<!tpu.dma_semaphore, #tpu.memory_space<semaphore_mem>>, %arg24: memref<!tpu.dma_semaphore, #tpu.memory_space<semaphore_mem>>, %arg25: memref<!tpu.dma_semaphore, #tpu.memory_space<semaphore_mem>>, %arg26: memref<!tpu.dma_semaphore, #tpu.memory_space<semaphore_mem>>, %arg27: memref<!tpu.dma_semaphore, #tpu.memory_space<semaphore_mem>>, %arg28: memref<!tpu.dma_semaphore, #tpu.memory_space<semaphore_mem>>, %arg29: memref<!tpu.dma_semaphore, #tpu.memory_space<semaphore_mem>>) attributes {dimension_semantics = [#tpu.dimension_semantics<core_parallel>, #tpu.dimension_semantics<subcore_parallel>], iteration_bounds = array<i64: 2, 16>, scalar_prefetch = 0 : i64, scratch_operands = 25 : i64, tpu.core_type = #tpu.core_type<sc_vector_subcore>, window_params = [{transform_indices = #map}, {transform_indices = #map}, {transform_indices = #map1}]} {
    %mul3A = arith.constant 2 : i32
    %mul3A_0 = arith.muli %arg1, %mul3A : i32
    %add3A = arith.addi %mul3A_0, %arg0 : i32
    %mul3A_1 = arith.constant 128 : i32
    %mul3A_2 = arith.muli %add3A, %mul3A_1 : i32
    "tpu.region"() ({
      %run_scoped3A = tpu.sem_alloc : memref<!tpu.dma_semaphore, #tpu.memory_space<semaphore_mem>>
      %dma_start3A_686 = arith.constant 0 : i32
      %dma_start3A_687 = tpu.memref_slice %arg3[%mul3A_2, %dma_start3A_686] : memref<4096x50xi32, #tpu.memory_space<hbm>> -> memref<128x50xi32, #tpu.memory_space<hbm>>
      %dma_start3A_688 = arith.constant 0 : i32
      %dma_start3A_689 = tpu.memref_slice %arg3[%mul3A_2, %dma_start3A_688] : memref<4096x50xi32, #tpu.memory_space<hbm>> -> memref<128x50xi32, #tpu.memory_space<hbm>>
      tpu.enqueue_dma source(%dma_start3A_689 : memref<128x50xi32, #tpu.memory_space<hbm>>) target(%arg5 : memref<128x50xi32, #tpu.memory_space<vmem>>) target_semaphore(%run_scoped3A : memref<!tpu.dma_semaphore, #tpu.memory_space<semaphore_mem>>)
      %dma_wait3A_690 = arith.constant 0 : i32
      %dma_wait3A_691 = tpu.memref_slice %arg3[%mul3A_2, %dma_wait3A_690] : memref<4096x50xi32, #tpu.memory_space<hbm>> -> memref<128x50xi32, #tpu.memory_space<hbm>>
      %dma_wait3A_692 = arith.constant 0 : i32
      %dma_wait3A_693 = tpu.memref_slice %arg3[%mul3A_2, %dma_wait3A_692] : memref<4096x50xi32, #tpu.memory_space<hbm>> -> memref<128x50xi32, #tpu.memory_space<hbm>>
      tpu.wait_dma2 semaphore(%run_scoped3A : memref<!tpu.dma_semaphore, #tpu.memory_space<semaphore_mem>>) src(%dma_wait3A_693 : memref<128x50xi32, #tpu.memory_space<hbm>>) dst(%arg5 : memref<128x50xi32, #tpu.memory_space<vmem>>)
      tpu.yield
    }) : () -> ()
    %dma_start3A = arith.constant 0 : i32
    %dma_start3A_3 = arith.constant 0 : i32
    %dma_start3A_4 = tpu.memref_slice %arg5[%dma_start3A, %dma_start3A_3] : memref<128x50xi32, #tpu.memory_space<vmem>> -> memref<1x50xi32, #tpu.memory_space<vmem>>
    %dma_start3A_5 = tpu.memref_squeeze %dma_start3A_4 : memref<1x50xi32, #tpu.memory_space<vmem>> -> memref<50xi32, #tpu.memory_space<vmem>>
    %dma_start3A_6 = arith.constant 0 : i32
    %dma_start3A_7 = arith.constant 0 : i32
    %dma_start3A_8 = tpu.memref_slice %arg2[%dma_start3A_6, %dma_start3A_7] : memref<100002x128xf32, #tpu.memory_space<hbm>> -> memref<100002x128xf32, #tpu.memory_space<hbm>>
    tpu.enqueue_indirect_dma source(%dma_start3A_8 : memref<100002x128xf32, #tpu.memory_space<hbm>>) target(%arg6 : memref<50x128xf32, #tpu.memory_space<vmem>>) offsets(%dma_start3A_5 : memref<50xi32, #tpu.memory_space<vmem>>) semaphore(%arg18 : memref<!tpu.dma_semaphore, #tpu.memory_space<semaphore_mem>>)
    %dma_start3A_9 = arith.constant 1 : i32
    %dma_start3A_10 = arith.constant 0 : i32
    %dma_start3A_11 = tpu.memref_slice %arg5[%dma_start3A_9, %dma_start3A_10] : memref<128x50xi32, #tpu.memory_space<vmem>> -> memref<1x50xi32, #tpu.memory_space<vmem>>
    %dma_start3A_12 = tpu.memref_squeeze %dma_start3A_11 : memref<1x50xi32, #tpu.memory_space<vmem>> -> memref<50xi32, #tpu.memory_space<vmem>>
    %dma_start3A_13 = arith.constant 0 : i32
    %dma_start3A_14 = arith.constant 0 : i32
    %dma_start3A_15 = tpu.memref_slice %arg2[%dma_start3A_13, %dma_start3A_14] : memref<100002x128xf32, #tpu.memory_space<hbm>> -> memref<100002x128xf32, #tpu.memory_space<hbm>>
    tpu.enqueue_indirect_dma source(%dma_start3A_15 : memref<100002x128xf32, #tpu.memory_space<hbm>>) target(%arg7 : memref<50x128xf32, #tpu.memory_space<vmem>>) offsets(%dma_start3A_12 : memref<50xi32, #tpu.memory_space<vmem>>) semaphore(%arg19 : memref<!tpu.dma_semaphore, #tpu.memory_space<semaphore_mem>>)
    %dma_start3A_16 = arith.constant 2 : i32
    %dma_start3A_17 = arith.constant 0 : i32
    %dma_start3A_18 = tpu.memref_slice %arg5[%dma_start3A_16, %dma_start3A_17] : memref<128x50xi32, #tpu.memory_space<vmem>> -> memref<1x50xi32, #tpu.memory_space<vmem>>
    %dma_start3A_19 = tpu.memref_squeeze %dma_start3A_18 : memref<1x50xi32, #tpu.memory_space<vmem>> -> memref<50xi32, #tpu.memory_space<vmem>>
    %dma_start3A_20 = arith.constant 0 : i32
    %dma_start3A_21 = arith.constant 0 : i32
    %dma_start3A_22 = tpu.memref_slice %arg2[%dma_start3A_20, %dma_start3A_21] : memref<100002x128xf32, #tpu.memory_space<hbm>> -> memref<100002x128xf32, #tpu.memory_space<hbm>>
    tpu.enqueue_indirect_dma source(%dma_start3A_22 : memref<100002x128xf32, #tpu.memory_space<hbm>>) target(%arg8 : memref<50x128xf32, #tpu.memory_space<vmem>>) offsets(%dma_start3A_19 : memref<50xi32, #tpu.memory_space<vmem>>) semaphore(%arg20 : memref<!tpu.dma_semaphore, #tpu.memory_space<semaphore_mem>>)
    %dma_start3A_23 = arith.constant 3 : i32
    %dma_start3A_24 = arith.constant 0 : i32
    %dma_start3A_25 = tpu.memref_slice %arg5[%dma_start3A_23, %dma_start3A_24] : memref<128x50xi32, #tpu.memory_space<vmem>> -> memref<1x50xi32, #tpu.memory_space<vmem>>
    %dma_start3A_26 = tpu.memref_squeeze %dma_start3A_25 : memref<1x50xi32, #tpu.memory_space<vmem>> -> memref<50xi32, #tpu.memory_space<vmem>>
    %dma_start3A_27 = arith.constant 0 : i32
    %dma_start3A_28 = arith.constant 0 : i32
    %dma_start3A_29 = tpu.memref_slice %arg2[%dma_start3A_27, %dma_start3A_28] : memref<100002x128xf32, #tpu.memory_space<hbm>> -> memref<100002x128xf32, #tpu.memory_space<hbm>>
    tpu.enqueue_indirect_dma source(%dma_start3A_29 : memref<100002x128xf32, #tpu.memory_space<hbm>>) target(%arg9 : memref<50x128xf32, #tpu.memory_space<vmem>>) offsets(%dma_start3A_26 : memref<50xi32, #tpu.memory_space<vmem>>) semaphore(%arg21 : memref<!tpu.dma_semaphore, #tpu.memory_space<semaphore_mem>>)
    %dma_start3A_30 = arith.constant 4 : i32
    %dma_start3A_31 = arith.constant 0 : i32
    %dma_start3A_32 = tpu.memref_slice %arg5[%dma_start3A_30, %dma_start3A_31] : memref<128x50xi32, #tpu.memory_space<vmem>> -> memref<1x50xi32, #tpu.memory_space<vmem>>
    %dma_start3A_33 = tpu.memref_squeeze %dma_start3A_32 : memref<1x50xi32, #tpu.memory_space<vmem>> -> memref<50xi32, #tpu.memory_space<vmem>>
    %dma_start3A_34 = arith.constant 0 : i32
    %dma_start3A_35 = arith.constant 0 : i32
    %dma_start3A_36 = tpu.memref_slice %arg2[%dma_start3A_34, %dma_start3A_35] : memref<100002x128xf32, #tpu.memory_space<hbm>> -> memref<100002x128xf32, #tpu.memory_space<hbm>>
    tpu.enqueue_indirect_dma source(%dma_start3A_36 : memref<100002x128xf32, #tpu.memory_space<hbm>>) target(%arg10 : memref<50x128xf32, #tpu.memory_space<vmem>>) offsets(%dma_start3A_33 : memref<50xi32, #tpu.memory_space<vmem>>) semaphore(%arg22 : memref<!tpu.dma_semaphore, #tpu.memory_space<semaphore_mem>>)
    %dma_start3A_37 = arith.constant 5 : i32
    %dma_start3A_38 = arith.constant 0 : i32
    %dma_start3A_39 = tpu.memref_slice %arg5[%dma_start3A_37, %dma_start3A_38] : memref<128x50xi32, #tpu.memory_space<vmem>> -> memref<1x50xi32, #tpu.memory_space<vmem>>
    %dma_start3A_40 = tpu.memref_squeeze %dma_start3A_39 : memref<1x50xi32, #tpu.memory_space<vmem>> -> memref<50xi32, #tpu.memory_space<vmem>>
    %dma_start3A_41 = arith.constant 0 : i32
    %dma_start3A_42 = arith.constant 0 : i32
    %dma_start3A_43 = tpu.memref_slice %arg2[%dma_start3A_41, %dma_start3A_42] : memref<100002x128xf32, #tpu.memory_space<hbm>> -> memref<100002x128xf32, #tpu.memory_space<hbm>>
    tpu.enqueue_indirect_dma source(%dma_start3A_43 : memref<100002x128xf32, #tpu.memory_space<hbm>>) target(%arg11 : memref<50x128xf32, #tpu.memory_space<vmem>>) offsets(%dma_start3A_40 : memref<50xi32, #tpu.memory_space<vmem>>) semaphore(%arg23 : memref<!tpu.dma_semaphore, #tpu.memory_space<semaphore_mem>>)
    %dma_start3A_44 = arith.constant 6 : i32
    %dma_start3A_45 = arith.constant 0 : i32
    %dma_start3A_46 = tpu.memref_slice %arg5[%dma_start3A_44, %dma_start3A_45] : memref<128x50xi32, #tpu.memory_space<vmem>> -> memref<1x50xi32, #tpu.memory_space<vmem>>
    %dma_start3A_47 = tpu.memref_squeeze %dma_start3A_46 : memref<1x50xi32, #tpu.memory_space<vmem>> -> memref<50xi32, #tpu.memory_space<vmem>>
    %dma_start3A_48 = arith.constant 0 : i32
    %dma_start3A_49 = arith.constant 0 : i32
    %dma_start3A_50 = tpu.memref_slice %arg2[%dma_start3A_48, %dma_start3A_49] : memref<100002x128xf32, #tpu.memory_space<hbm>> -> memref<100002x128xf32, #tpu.memory_space<hbm>>
    tpu.enqueue_indirect_dma source(%dma_start3A_50 : memref<100002x128xf32, #tpu.memory_space<hbm>>) target(%arg12 : memref<50x128xf32, #tpu.memory_space<vmem>>) offsets(%dma_start3A_47 : memref<50xi32, #tpu.memory_space<vmem>>) semaphore(%arg24 : memref<!tpu.dma_semaphore, #tpu.memory_space<semaphore_mem>>)
    %dma_start3A_51 = arith.constant 7 : i32
    %dma_start3A_52 = arith.constant 0 : i32
    %dma_start3A_53 = tpu.memref_slice %arg5[%dma_start3A_51, %dma_start3A_52] : memref<128x50xi32, #tpu.memory_space<vmem>> -> memref<1x50xi32, #tpu.memory_space<vmem>>
    %dma_start3A_54 = tpu.memref_squeeze %dma_start3A_53 : memref<1x50xi32, #tpu.memory_space<vmem>> -> memref<50xi32, #tpu.memory_space<vmem>>
    %dma_start3A_55 = arith.constant 0 : i32
    %dma_start3A_56 = arith.constant 0 : i32
    %dma_start3A_57 = tpu.memref_slice %arg2[%dma_start3A_55, %dma_start3A_56] : memref<100002x128xf32, #tpu.memory_space<hbm>> -> memref<100002x128xf32, #tpu.memory_space<hbm>>
    tpu.enqueue_indirect_dma source(%dma_start3A_57 : memref<100002x128xf32, #tpu.memory_space<hbm>>) target(%arg13 : memref<50x128xf32, #tpu.memory_space<vmem>>) offsets(%dma_start3A_54 : memref<50xi32, #tpu.memory_space<vmem>>) semaphore(%arg25 : memref<!tpu.dma_semaphore, #tpu.memory_space<semaphore_mem>>)
    %dma_wait3A = arith.constant 0 : i32
    %dma_wait3A_58 = arith.constant 0 : i32
    %dma_wait3A_59 = tpu.memref_slice %arg5[%dma_wait3A, %dma_wait3A_58] : memref<128x50xi32, #tpu.memory_space<vmem>> -> memref<1x50xi32, #tpu.memory_space<vmem>>
    %dma_wait3A_60 = tpu.memref_squeeze %dma_wait3A_59 : memref<1x50xi32, #tpu.memory_space<vmem>> -> memref<50xi32, #tpu.memory_space<vmem>>
    %dma_wait3A_61 = arith.constant 0 : i32
    %dma_wait3A_62 = arith.constant 0 : i32
    %dma_wait3A_63 = tpu.memref_slice %arg2[%dma_wait3A_61, %dma_wait3A_62] : memref<100002x128xf32, #tpu.memory_space<hbm>> -> memref<100002x128xf32, #tpu.memory_space<hbm>>
    tpu.wait_indirect_dma semaphore(%arg18 : memref<!tpu.dma_semaphore, #tpu.memory_space<semaphore_mem>>) src(%dma_wait3A_63 : memref<100002x128xf32, #tpu.memory_space<hbm>>) dst(%arg6 : memref<50x128xf32, #tpu.memory_space<vmem>>)
    %add3A_64 = arith.constant 0 : i32
    %add3A_65 = arith.addi %mul3A_2, %add3A_64 : i32
    %dma_start3A_66 = arith.constant 0 : i32
    %dma_start3A_67 = arith.constant 0 : i32
    %dma_start3A_68 = tpu.memref_slice %arg4[%add3A_65, %dma_start3A_66, %dma_start3A_67] : memref<4096x50x128xf32, #tpu.memory_space<hbm>> -> memref<1x50x128xf32, #tpu.memory_space<hbm>>
    %dma_start3A_69 = tpu.memref_squeeze %dma_start3A_68 : memref<1x50x128xf32, #tpu.memory_space<hbm>> -> memref<50x128xf32, #tpu.memory_space<hbm>>
    %dma_start3A_70 = arith.constant 0 : i32
    %dma_start3A_71 = arith.constant 0 : i32
    %dma_start3A_72 = tpu.memref_slice %arg4[%add3A_65, %dma_start3A_70, %dma_start3A_71] : memref<4096x50x128xf32, #tpu.memory_space<hbm>> -> memref<1x50x128xf32, #tpu.memory_space<hbm>>
    %dma_start3A_73 = tpu.memref_squeeze %dma_start3A_72 : memref<1x50x128xf32, #tpu.memory_space<hbm>> -> memref<50x128xf32, #tpu.memory_space<hbm>>
    tpu.enqueue_dma source(%arg6 : memref<50x128xf32, #tpu.memory_space<vmem>>) target(%dma_start3A_73 : memref<50x128xf32, #tpu.memory_space<hbm>>) target_semaphore(%arg18 : memref<!tpu.dma_semaphore, #tpu.memory_space<semaphore_mem>>)
    %dma_start3A_74 = arith.constant 8 : i32
    %dma_start3A_75 = arith.constant 0 : i32
    %dma_start3A_76 = tpu.memref_slice %arg5[%dma_start3A_74, %dma_start3A_75] : memref<128x50xi32, #tpu.memory_space<vmem>> -> memref<1x50xi32, #tpu.memory_space<vmem>>
    %dma_start3A_77 = tpu.memref_squeeze %dma_start3A_76 : memref<1x50xi32, #tpu.memory_space<vmem>> -> memref<50xi32, #tpu.memory_space<vmem>>
    %dma_start3A_78 = arith.constant 0 : i32
    %dma_start3A_79 = arith.constant 0 : i32
    %dma_start3A_80 = tpu.memref_slice %arg2[%dma_start3A_78, %dma_start3A_79] : memref<100002x128xf32, #tpu.memory_space<hbm>> -> memref<100002x128xf32, #tpu.memory_space<hbm>>
    tpu.enqueue_indirect_dma source(%dma_start3A_80 : memref<100002x128xf32, #tpu.memory_space<hbm>>) target(%arg14 : memref<50x128xf32, #tpu.memory_space<vmem>>) offsets(%dma_start3A_77 : memref<50xi32, #tpu.memory_space<vmem>>) semaphore(%arg26 : memref<!tpu.dma_semaphore, #tpu.memory_space<semaphore_mem>>)
    %dma_wait3A_81 = arith.constant 1 : i32
    %dma_wait3A_82 = arith.constant 0 : i32
    %dma_wait3A_83 = tpu.memref_slice %arg5[%dma_wait3A_81, %dma_wait3A_82] : memref<128x50xi32, #tpu.memory_space<vmem>> -> memref<1x50xi32, #tpu.memory_space<vmem>>
    %dma_wait3A_84 = tpu.memref_squeeze %dma_wait3A_83 : memref<1x50xi32, #tpu.memory_space<vmem>> -> memref<50xi32, #tpu.memory_space<vmem>>
    %dma_wait3A_85 = arith.constant 0 : i32
    %dma_wait3A_86 = arith.constant 0 : i32
    %dma_wait3A_87 = tpu.memref_slice %arg2[%dma_wait3A_85, %dma_wait3A_86] : memref<100002x128xf32, #tpu.memory_space<hbm>> -> memref<100002x128xf32, #tpu.memory_space<hbm>>
    tpu.wait_indirect_dma semaphore(%arg19 : memref<!tpu.dma_semaphore, #tpu.memory_space<semaphore_mem>>) src(%dma_wait3A_87 : memref<100002x128xf32, #tpu.memory_space<hbm>>) dst(%arg7 : memref<50x128xf32, #tpu.memory_space<vmem>>)
    %add3A_88 = arith.constant 1 : i32
    %add3A_89 = arith.addi %mul3A_2, %add3A_88 : i32
    %dma_start3A_90 = arith.constant 0 : i32
    %dma_start3A_91 = arith.constant 0 : i32
    %dma_start3A_92 = tpu.memref_slice %arg4[%add3A_89, %dma_start3A_90, %dma_start3A_91] : memref<4096x50x128xf32, #tpu.memory_space<hbm>> -> memref<1x50x128xf32, #tpu.memory_space<hbm>>
    %dma_start3A_93 = tpu.memref_squeeze %dma_start3A_92 : memref<1x50x128xf32, #tpu.memory_space<hbm>> -> memref<50x128xf32, #tpu.memory_space<hbm>>
    %dma_start3A_94 = arith.constant 0 : i32
    %dma_start3A_95 = arith.constant 0 : i32
    %dma_start3A_96 = tpu.memref_slice %arg4[%add3A_89, %dma_start3A_94, %dma_start3A_95] : memref<4096x50x128xf32, #tpu.memory_space<hbm>> -> memref<1x50x128xf32, #tpu.memory_space<hbm>>
    %dma_start3A_97 = tpu.memref_squeeze %dma_start3A_96 : memref<1x50x128xf32, #tpu.memory_space<hbm>> -> memref<50x128xf32, #tpu.memory_space<hbm>>
    tpu.enqueue_dma source(%arg7 : memref<50x128xf32, #tpu.memory_space<vmem>>) target(%dma_start3A_97 : memref<50x128xf32, #tpu.memory_space<hbm>>) target_semaphore(%arg19 : memref<!tpu.dma_semaphore, #tpu.memory_space<semaphore_mem>>)
    %dma_start3A_98 = arith.constant 9 : i32
    %dma_start3A_99 = arith.constant 0 : i32
    %dma_start3A_100 = tpu.memref_slice %arg5[%dma_start3A_98, %dma_start3A_99] : memref<128x50xi32, #tpu.memory_space<vmem>> -> memref<1x50xi32, #tpu.memory_space<vmem>>
    %dma_start3A_101 = tpu.memref_squeeze %dma_start3A_100 : memref<1x50xi32, #tpu.memory_space<vmem>> -> memref<50xi32, #tpu.memory_space<vmem>>
    %dma_start3A_102 = arith.constant 0 : i32
    %dma_start3A_103 = arith.constant 0 : i32
    %dma_start3A_104 = tpu.memref_slice %arg2[%dma_start3A_102, %dma_start3A_103] : memref<100002x128xf32, #tpu.memory_space<hbm>> -> memref<100002x128xf32, #tpu.memory_space<hbm>>
    tpu.enqueue_indirect_dma source(%dma_start3A_104 : memref<100002x128xf32, #tpu.memory_space<hbm>>) target(%arg15 : memref<50x128xf32, #tpu.memory_space<vmem>>) offsets(%dma_start3A_101 : memref<50xi32, #tpu.memory_space<vmem>>) semaphore(%arg27 : memref<!tpu.dma_semaphore, #tpu.memory_space<semaphore_mem>>)
    %dma_wait3A_105 = arith.constant 2 : i32
    %dma_wait3A_106 = arith.constant 0 : i32
    %dma_wait3A_107 = tpu.memref_slice %arg5[%dma_wait3A_105, %dma_wait3A_106] : memref<128x50xi32, #tpu.memory_space<vmem>> -> memref<1x50xi32, #tpu.memory_space<vmem>>
    %dma_wait3A_108 = tpu.memref_squeeze %dma_wait3A_107 : memref<1x50xi32, #tpu.memory_space<vmem>> -> memref<50xi32, #tpu.memory_space<vmem>>
    %dma_wait3A_109 = arith.constant 0 : i32
    %dma_wait3A_110 = arith.constant 0 : i32
    %dma_wait3A_111 = tpu.memref_slice %arg2[%dma_wait3A_109, %dma_wait3A_110] : memref<100002x128xf32, #tpu.memory_space<hbm>> -> memref<100002x128xf32, #tpu.memory_space<hbm>>
    tpu.wait_indirect_dma semaphore(%arg20 : memref<!tpu.dma_semaphore, #tpu.memory_space<semaphore_mem>>) src(%dma_wait3A_111 : memref<100002x128xf32, #tpu.memory_space<hbm>>) dst(%arg8 : memref<50x128xf32, #tpu.memory_space<vmem>>)
    %add3A_112 = arith.constant 2 : i32
    %add3A_113 = arith.addi %mul3A_2, %add3A_112 : i32
    %dma_start3A_114 = arith.constant 0 : i32
    %dma_start3A_115 = arith.constant 0 : i32
    %dma_start3A_116 = tpu.memref_slice %arg4[%add3A_113, %dma_start3A_114, %dma_start3A_115] : memref<4096x50x128xf32, #tpu.memory_space<hbm>> -> memref<1x50x128xf32, #tpu.memory_space<hbm>>
    %dma_start3A_117 = tpu.memref_squeeze %dma_start3A_116 : memref<1x50x128xf32, #tpu.memory_space<hbm>> -> memref<50x128xf32, #tpu.memory_space<hbm>>
    %dma_start3A_118 = arith.constant 0 : i32
    %dma_start3A_119 = arith.constant 0 : i32
    %dma_start3A_120 = tpu.memref_slice %arg4[%add3A_113, %dma_start3A_118, %dma_start3A_119] : memref<4096x50x128xf32, #tpu.memory_space<hbm>> -> memref<1x50x128xf32, #tpu.memory_space<hbm>>
    %dma_start3A_121 = tpu.memref_squeeze %dma_start3A_120 : memref<1x50x128xf32, #tpu.memory_space<hbm>> -> memref<50x128xf32, #tpu.memory_space<hbm>>
    tpu.enqueue_dma source(%arg8 : memref<50x128xf32, #tpu.memory_space<vmem>>) target(%dma_start3A_121 : memref<50x128xf32, #tpu.memory_space<hbm>>) target_semaphore(%arg20 : memref<!tpu.dma_semaphore, #tpu.memory_space<semaphore_mem>>)
    %dma_start3A_122 = arith.constant 10 : i32
    %dma_start3A_123 = arith.constant 0 : i32
    %dma_start3A_124 = tpu.memref_slice %arg5[%dma_start3A_122, %dma_start3A_123] : memref<128x50xi32, #tpu.memory_space<vmem>> -> memref<1x50xi32, #tpu.memory_space<vmem>>
    %dma_start3A_125 = tpu.memref_squeeze %dma_start3A_124 : memref<1x50xi32, #tpu.memory_space<vmem>> -> memref<50xi32, #tpu.memory_space<vmem>>
    %dma_start3A_126 = arith.constant 0 : i32
    %dma_start3A_127 = arith.constant 0 : i32
    %dma_start3A_128 = tpu.memref_slice %arg2[%dma_start3A_126, %dma_start3A_127] : memref<100002x128xf32, #tpu.memory_space<hbm>> -> memref<100002x128xf32, #tpu.memory_space<hbm>>
    tpu.enqueue_indirect_dma source(%dma_start3A_128 : memref<100002x128xf32, #tpu.memory_space<hbm>>) target(%arg16 : memref<50x128xf32, #tpu.memory_space<vmem>>) offsets(%dma_start3A_125 : memref<50xi32, #tpu.memory_space<vmem>>) semaphore(%arg28 : memref<!tpu.dma_semaphore, #tpu.memory_space<semaphore_mem>>)
    %dma_wait3A_129 = arith.constant 3 : i32
    %dma_wait3A_130 = arith.constant 0 : i32
    %dma_wait3A_131 = tpu.memref_slice %arg5[%dma_wait3A_129, %dma_wait3A_130] : memref<128x50xi32, #tpu.memory_space<vmem>> -> memref<1x50xi32, #tpu.memory_space<vmem>>
    %dma_wait3A_132 = tpu.memref_squeeze %dma_wait3A_131 : memref<1x50xi32, #tpu.memory_space<vmem>> -> memref<50xi32, #tpu.memory_space<vmem>>
    %dma_wait3A_133 = arith.constant 0 : i32
    %dma_wait3A_134 = arith.constant 0 : i32
    %dma_wait3A_135 = tpu.memref_slice %arg2[%dma_wait3A_133, %dma_wait3A_134] : memref<100002x128xf32, #tpu.memory_space<hbm>> -> memref<100002x128xf32, #tpu.memory_space<hbm>>
    tpu.wait_indirect_dma semaphore(%arg21 : memref<!tpu.dma_semaphore, #tpu.memory_space<semaphore_mem>>) src(%dma_wait3A_135 : memref<100002x128xf32, #tpu.memory_space<hbm>>) dst(%arg9 : memref<50x128xf32, #tpu.memory_space<vmem>>)
    %add3A_136 = arith.constant 3 : i32
    %add3A_137 = arith.addi %mul3A_2, %add3A_136 : i32
    %dma_start3A_138 = arith.constant 0 : i32
    %dma_start3A_139 = arith.constant 0 : i32
    %dma_start3A_140 = tpu.memref_slice %arg4[%add3A_137, %dma_start3A_138, %dma_start3A_139] : memref<4096x50x128xf32, #tpu.memory_space<hbm>> -> memref<1x50x128xf32, #tpu.memory_space<hbm>>
    %dma_start3A_141 = tpu.memref_squeeze %dma_start3A_140 : memref<1x50x128xf32, #tpu.memory_space<hbm>> -> memref<50x128xf32, #tpu.memory_space<hbm>>
    %dma_start3A_142 = arith.constant 0 : i32
    %dma_start3A_143 = arith.constant 0 : i32
    %dma_start3A_144 = tpu.memref_slice %arg4[%add3A_137, %dma_start3A_142, %dma_start3A_143] : memref<4096x50x128xf32, #tpu.memory_space<hbm>> -> memref<1x50x128xf32, #tpu.memory_space<hbm>>
    %dma_start3A_145 = tpu.memref_squeeze %dma_start3A_144 : memref<1x50x128xf32, #tpu.memory_space<hbm>> -> memref<50x128xf32, #tpu.memory_space<hbm>>
    tpu.enqueue_dma source(%arg9 : memref<50x128xf32, #tpu.memory_space<vmem>>) target(%dma_start3A_145 : memref<50x128xf32, #tpu.memory_space<hbm>>) target_semaphore(%arg21 : memref<!tpu.dma_semaphore, #tpu.memory_space<semaphore_mem>>)
    %dma_start3A_146 = arith.constant 11 : i32
    %dma_start3A_147 = arith.constant 0 : i32
    %dma_start3A_148 = tpu.memref_slice %arg5[%dma_start3A_146, %dma_start3A_147] : memref<128x50xi32, #tpu.memory_space<vmem>> -> memref<1x50xi32, #tpu.memory_space<vmem>>
    %dma_start3A_149 = tpu.memref_squeeze %dma_start3A_148 : memref<1x50xi32, #tpu.memory_space<vmem>> -> memref<50xi32, #tpu.memory_space<vmem>>
    %dma_start3A_150 = arith.constant 0 : i32
    %dma_start3A_151 = arith.constant 0 : i32
    %dma_start3A_152 = tpu.memref_slice %arg2[%dma_start3A_150, %dma_start3A_151] : memref<100002x128xf32, #tpu.memory_space<hbm>> -> memref<100002x128xf32, #tpu.memory_space<hbm>>
    tpu.enqueue_indirect_dma source(%dma_start3A_152 : memref<100002x128xf32, #tpu.memory_space<hbm>>) target(%arg17 : memref<50x128xf32, #tpu.memory_space<vmem>>) offsets(%dma_start3A_149 : memref<50xi32, #tpu.memory_space<vmem>>) semaphore(%arg29 : memref<!tpu.dma_semaphore, #tpu.memory_space<semaphore_mem>>)
    %dma_wait3A_153 = arith.constant 4 : i32
    %dma_wait3A_154 = arith.constant 0 : i32
    %dma_wait3A_155 = tpu.memref_slice %arg5[%dma_wait3A_153, %dma_wait3A_154] : memref<128x50xi32, #tpu.memory_space<vmem>> -> memref<1x50xi32, #tpu.memory_space<vmem>>
    %dma_wait3A_156 = tpu.memref_squeeze %dma_wait3A_155 : memref<1x50xi32, #tpu.memory_space<vmem>> -> memref<50xi32, #tpu.memory_space<vmem>>
    %dma_wait3A_157 = arith.constant 0 : i32
    %dma_wait3A_158 = arith.constant 0 : i32
    %dma_wait3A_159 = tpu.memref_slice %arg2[%dma_wait3A_157, %dma_wait3A_158] : memref<100002x128xf32, #tpu.memory_space<hbm>> -> memref<100002x128xf32, #tpu.memory_space<hbm>>
    tpu.wait_indirect_dma semaphore(%arg22 : memref<!tpu.dma_semaphore, #tpu.memory_space<semaphore_mem>>) src(%dma_wait3A_159 : memref<100002x128xf32, #tpu.memory_space<hbm>>) dst(%arg10 : memref<50x128xf32, #tpu.memory_space<vmem>>)
    %add3A_160 = arith.constant 4 : i32
    %add3A_161 = arith.addi %mul3A_2, %add3A_160 : i32
    %dma_start3A_162 = arith.constant 0 : i32
    %dma_start3A_163 = arith.constant 0 : i32
    %dma_start3A_164 = tpu.memref_slice %arg4[%add3A_161, %dma_start3A_162, %dma_start3A_163] : memref<4096x50x128xf32, #tpu.memory_space<hbm>> -> memref<1x50x128xf32, #tpu.memory_space<hbm>>
    %dma_start3A_165 = tpu.memref_squeeze %dma_start3A_164 : memref<1x50x128xf32, #tpu.memory_space<hbm>> -> memref<50x128xf32, #tpu.memory_space<hbm>>
    %dma_start3A_166 = arith.constant 0 : i32
    %dma_start3A_167 = arith.constant 0 : i32
    %dma_start3A_168 = tpu.memref_slice %arg4[%add3A_161, %dma_start3A_166, %dma_start3A_167] : memref<4096x50x128xf32, #tpu.memory_space<hbm>> -> memref<1x50x128xf32, #tpu.memory_space<hbm>>
    %dma_start3A_169 = tpu.memref_squeeze %dma_start3A_168 : memref<1x50x128xf32, #tpu.memory_space<hbm>> -> memref<50x128xf32, #tpu.memory_space<hbm>>
    tpu.enqueue_dma source(%arg10 : memref<50x128xf32, #tpu.memory_space<vmem>>) target(%dma_start3A_169 : memref<50x128xf32, #tpu.memory_space<hbm>>) target_semaphore(%arg22 : memref<!tpu.dma_semaphore, #tpu.memory_space<semaphore_mem>>)
    %add3A_170 = arith.constant 0 : i32
    %add3A_171 = arith.addi %mul3A_2, %add3A_170 : i32
    %dma_wait3A_172 = arith.constant 0 : i32
    %dma_wait3A_173 = arith.constant 0 : i32
    %dma_wait3A_174 = tpu.memref_slice %arg4[%add3A_171, %dma_wait3A_172, %dma_wait3A_173] : memref<4096x50x128xf32, #tpu.memory_space<hbm>> -> memref<1x50x128xf32, #tpu.memory_space<hbm>>
    %dma_wait3A_175 = tpu.memref_squeeze %dma_wait3A_174 : memref<1x50x128xf32, #tpu.memory_space<hbm>> -> memref<50x128xf32, #tpu.memory_space<hbm>>
    %dma_wait3A_176 = arith.constant 0 : i32
    %dma_wait3A_177 = arith.constant 0 : i32
    %dma_wait3A_178 = tpu.memref_slice %arg4[%add3A_171, %dma_wait3A_176, %dma_wait3A_177] : memref<4096x50x128xf32, #tpu.memory_space<hbm>> -> memref<1x50x128xf32, #tpu.memory_space<hbm>>
    %dma_wait3A_179 = tpu.memref_squeeze %dma_wait3A_178 : memref<1x50x128xf32, #tpu.memory_space<hbm>> -> memref<50x128xf32, #tpu.memory_space<hbm>>
    tpu.wait_dma2 semaphore(%arg18 : memref<!tpu.dma_semaphore, #tpu.memory_space<semaphore_mem>>) src(%arg6 : memref<50x128xf32, #tpu.memory_space<vmem>>) dst(%dma_wait3A_179 : memref<50x128xf32, #tpu.memory_space<hbm>>)
    %dma_start3A_180 = arith.constant 12 : i32
    %dma_start3A_181 = arith.constant 0 : i32
    %dma_start3A_182 = tpu.memref_slice %arg5[%dma_start3A_180, %dma_start3A_181] : memref<128x50xi32, #tpu.memory_space<vmem>> -> memref<1x50xi32, #tpu.memory_space<vmem>>
    %dma_start3A_183 = tpu.memref_squeeze %dma_start3A_182 : memref<1x50xi32, #tpu.memory_space<vmem>> -> memref<50xi32, #tpu.memory_space<vmem>>
    %dma_start3A_184 = arith.constant 0 : i32
    %dma_start3A_185 = arith.constant 0 : i32
    %dma_start3A_186 = tpu.memref_slice %arg2[%dma_start3A_184, %dma_start3A_185] : memref<100002x128xf32, #tpu.memory_space<hbm>> -> memref<100002x128xf32, #tpu.memory_space<hbm>>
    tpu.enqueue_indirect_dma source(%dma_start3A_186 : memref<100002x128xf32, #tpu.memory_space<hbm>>) target(%arg6 : memref<50x128xf32, #tpu.memory_space<vmem>>) offsets(%dma_start3A_183 : memref<50xi32, #tpu.memory_space<vmem>>) semaphore(%arg18 : memref<!tpu.dma_semaphore, #tpu.memory_space<semaphore_mem>>)
    %dma_wait3A_187 = arith.constant 5 : i32
    %dma_wait3A_188 = arith.constant 0 : i32
    %dma_wait3A_189 = tpu.memref_slice %arg5[%dma_wait3A_187, %dma_wait3A_188] : memref<128x50xi32, #tpu.memory_space<vmem>> -> memref<1x50xi32, #tpu.memory_space<vmem>>
    %dma_wait3A_190 = tpu.memref_squeeze %dma_wait3A_189 : memref<1x50xi32, #tpu.memory_space<vmem>> -> memref<50xi32, #tpu.memory_space<vmem>>
    %dma_wait3A_191 = arith.constant 0 : i32
    %dma_wait3A_192 = arith.constant 0 : i32
    %dma_wait3A_193 = tpu.memref_slice %arg2[%dma_wait3A_191, %dma_wait3A_192] : memref<100002x128xf32, #tpu.memory_space<hbm>> -> memref<100002x128xf32, #tpu.memory_space<hbm>>
    tpu.wait_indirect_dma semaphore(%arg23 : memref<!tpu.dma_semaphore, #tpu.memory_space<semaphore_mem>>) src(%dma_wait3A_193 : memref<100002x128xf32, #tpu.memory_space<hbm>>) dst(%arg11 : memref<50x128xf32, #tpu.memory_space<vmem>>)
    %add3A_194 = arith.constant 5 : i32
    %add3A_195 = arith.addi %mul3A_2, %add3A_194 : i32
    %dma_start3A_196 = arith.constant 0 : i32
    %dma_start3A_197 = arith.constant 0 : i32
    %dma_start3A_198 = tpu.memref_slice %arg4[%add3A_195, %dma_start3A_196, %dma_start3A_197] : memref<4096x50x128xf32, #tpu.memory_space<hbm>> -> memref<1x50x128xf32, #tpu.memory_space<hbm>>
    %dma_start3A_199 = tpu.memref_squeeze %dma_start3A_198 : memref<1x50x128xf32, #tpu.memory_space<hbm>> -> memref<50x128xf32, #tpu.memory_space<hbm>>
    %dma_start3A_200 = arith.constant 0 : i32
    %dma_start3A_201 = arith.constant 0 : i32
    %dma_start3A_202 = tpu.memref_slice %arg4[%add3A_195, %dma_start3A_200, %dma_start3A_201] : memref<4096x50x128xf32, #tpu.memory_space<hbm>> -> memref<1x50x128xf32, #tpu.memory_space<hbm>>
    %dma_start3A_203 = tpu.memref_squeeze %dma_start3A_202 : memref<1x50x128xf32, #tpu.memory_space<hbm>> -> memref<50x128xf32, #tpu.memory_space<hbm>>
    tpu.enqueue_dma source(%arg11 : memref<50x128xf32, #tpu.memory_space<vmem>>) target(%dma_start3A_203 : memref<50x128xf32, #tpu.memory_space<hbm>>) target_semaphore(%arg23 : memref<!tpu.dma_semaphore, #tpu.memory_space<semaphore_mem>>)
    %add3A_204 = arith.constant 1 : i32
    %add3A_205 = arith.addi %mul3A_2, %add3A_204 : i32
    %dma_wait3A_206 = arith.constant 0 : i32
    %dma_wait3A_207 = arith.constant 0 : i32
    %dma_wait3A_208 = tpu.memref_slice %arg4[%add3A_205, %dma_wait3A_206, %dma_wait3A_207] : memref<4096x50x128xf32, #tpu.memory_space<hbm>> -> memref<1x50x128xf32, #tpu.memory_space<hbm>>
    %dma_wait3A_209 = tpu.memref_squeeze %dma_wait3A_208 : memref<1x50x128xf32, #tpu.memory_space<hbm>> -> memref<50x128xf32, #tpu.memory_space<hbm>>
    %dma_wait3A_210 = arith.constant 0 : i32
    %dma_wait3A_211 = arith.constant 0 : i32
    %dma_wait3A_212 = tpu.memref_slice %arg4[%add3A_205, %dma_wait3A_210, %dma_wait3A_211] : memref<4096x50x128xf32, #tpu.memory_space<hbm>> -> memref<1x50x128xf32, #tpu.memory_space<hbm>>
    %dma_wait3A_213 = tpu.memref_squeeze %dma_wait3A_212 : memref<1x50x128xf32, #tpu.memory_space<hbm>> -> memref<50x128xf32, #tpu.memory_space<hbm>>
    tpu.wait_dma2 semaphore(%arg19 : memref<!tpu.dma_semaphore, #tpu.memory_space<semaphore_mem>>) src(%arg7 : memref<50x128xf32, #tpu.memory_space<vmem>>) dst(%dma_wait3A_213 : memref<50x128xf32, #tpu.memory_space<hbm>>)
    %dma_start3A_214 = arith.constant 13 : i32
    %dma_start3A_215 = arith.constant 0 : i32
    %dma_start3A_216 = tpu.memref_slice %arg5[%dma_start3A_214, %dma_start3A_215] : memref<128x50xi32, #tpu.memory_space<vmem>> -> memref<1x50xi32, #tpu.memory_space<vmem>>
    %dma_start3A_217 = tpu.memref_squeeze %dma_start3A_216 : memref<1x50xi32, #tpu.memory_space<vmem>> -> memref<50xi32, #tpu.memory_space<vmem>>
    %dma_start3A_218 = arith.constant 0 : i32
    %dma_start3A_219 = arith.constant 0 : i32
    %dma_start3A_220 = tpu.memref_slice %arg2[%dma_start3A_218, %dma_start3A_219] : memref<100002x128xf32, #tpu.memory_space<hbm>> -> memref<100002x128xf32, #tpu.memory_space<hbm>>
    tpu.enqueue_indirect_dma source(%dma_start3A_220 : memref<100002x128xf32, #tpu.memory_space<hbm>>) target(%arg7 : memref<50x128xf32, #tpu.memory_space<vmem>>) offsets(%dma_start3A_217 : memref<50xi32, #tpu.memory_space<vmem>>) semaphore(%arg19 : memref<!tpu.dma_semaphore, #tpu.memory_space<semaphore_mem>>)
    %dma_wait3A_221 = arith.constant 6 : i32
    %dma_wait3A_222 = arith.constant 0 : i32
    %dma_wait3A_223 = tpu.memref_slice %arg5[%dma_wait3A_221, %dma_wait3A_222] : memref<128x50xi32, #tpu.memory_space<vmem>> -> memref<1x50xi32, #tpu.memory_space<vmem>>
    %dma_wait3A_224 = tpu.memref_squeeze %dma_wait3A_223 : memref<1x50xi32, #tpu.memory_space<vmem>> -> memref<50xi32, #tpu.memory_space<vmem>>
    %dma_wait3A_225 = arith.constant 0 : i32
    %dma_wait3A_226 = arith.constant 0 : i32
    %dma_wait3A_227 = tpu.memref_slice %arg2[%dma_wait3A_225, %dma_wait3A_226] : memref<100002x128xf32, #tpu.memory_space<hbm>> -> memref<100002x128xf32, #tpu.memory_space<hbm>>
    tpu.wait_indirect_dma semaphore(%arg24 : memref<!tpu.dma_semaphore, #tpu.memory_space<semaphore_mem>>) src(%dma_wait3A_227 : memref<100002x128xf32, #tpu.memory_space<hbm>>) dst(%arg12 : memref<50x128xf32, #tpu.memory_space<vmem>>)
    %add3A_228 = arith.constant 6 : i32
    %add3A_229 = arith.addi %mul3A_2, %add3A_228 : i32
    %dma_start3A_230 = arith.constant 0 : i32
    %dma_start3A_231 = arith.constant 0 : i32
    %dma_start3A_232 = tpu.memref_slice %arg4[%add3A_229, %dma_start3A_230, %dma_start3A_231] : memref<4096x50x128xf32, #tpu.memory_space<hbm>> -> memref<1x50x128xf32, #tpu.memory_space<hbm>>
    %dma_start3A_233 = tpu.memref_squeeze %dma_start3A_232 : memref<1x50x128xf32, #tpu.memory_space<hbm>> -> memref<50x128xf32, #tpu.memory_space<hbm>>
    %dma_start3A_234 = arith.constant 0 : i32
    %dma_start3A_235 = arith.constant 0 : i32
    %dma_start3A_236 = tpu.memref_slice %arg4[%add3A_229, %dma_start3A_234, %dma_start3A_235] : memref<4096x50x128xf32, #tpu.memory_space<hbm>> -> memref<1x50x128xf32, #tpu.memory_space<hbm>>
    %dma_start3A_237 = tpu.memref_squeeze %dma_start3A_236 : memref<1x50x128xf32, #tpu.memory_space<hbm>> -> memref<50x128xf32, #tpu.memory_space<hbm>>
    tpu.enqueue_dma source(%arg12 : memref<50x128xf32, #tpu.memory_space<vmem>>) target(%dma_start3A_237 : memref<50x128xf32, #tpu.memory_space<hbm>>) target_semaphore(%arg24 : memref<!tpu.dma_semaphore, #tpu.memory_space<semaphore_mem>>)
    %add3A_238 = arith.constant 2 : i32
    %add3A_239 = arith.addi %mul3A_2, %add3A_238 : i32
    %dma_wait3A_240 = arith.constant 0 : i32
    %dma_wait3A_241 = arith.constant 0 : i32
    %dma_wait3A_242 = tpu.memref_slice %arg4[%add3A_239, %dma_wait3A_240, %dma_wait3A_241] : memref<4096x50x128xf32, #tpu.memory_space<hbm>> -> memref<1x50x128xf32, #tpu.memory_space<hbm>>
    %dma_wait3A_243 = tpu.memref_squeeze %dma_wait3A_242 : memref<1x50x128xf32, #tpu.memory_space<hbm>> -> memref<50x128xf32, #tpu.memory_space<hbm>>
    %dma_wait3A_244 = arith.constant 0 : i32
    %dma_wait3A_245 = arith.constant 0 : i32
    %dma_wait3A_246 = tpu.memref_slice %arg4[%add3A_239, %dma_wait3A_244, %dma_wait3A_245] : memref<4096x50x128xf32, #tpu.memory_space<hbm>> -> memref<1x50x128xf32, #tpu.memory_space<hbm>>
    %dma_wait3A_247 = tpu.memref_squeeze %dma_wait3A_246 : memref<1x50x128xf32, #tpu.memory_space<hbm>> -> memref<50x128xf32, #tpu.memory_space<hbm>>
    tpu.wait_dma2 semaphore(%arg20 : memref<!tpu.dma_semaphore, #tpu.memory_space<semaphore_mem>>) src(%arg8 : memref<50x128xf32, #tpu.memory_space<vmem>>) dst(%dma_wait3A_247 : memref<50x128xf32, #tpu.memory_space<hbm>>)
    %dma_start3A_248 = arith.constant 14 : i32
    %dma_start3A_249 = arith.constant 0 : i32
    %dma_start3A_250 = tpu.memref_slice %arg5[%dma_start3A_248, %dma_start3A_249] : memref<128x50xi32, #tpu.memory_space<vmem>> -> memref<1x50xi32, #tpu.memory_space<vmem>>
    %dma_start3A_251 = tpu.memref_squeeze %dma_start3A_250 : memref<1x50xi32, #tpu.memory_space<vmem>> -> memref<50xi32, #tpu.memory_space<vmem>>
    %dma_start3A_252 = arith.constant 0 : i32
    %dma_start3A_253 = arith.constant 0 : i32
    %dma_start3A_254 = tpu.memref_slice %arg2[%dma_start3A_252, %dma_start3A_253] : memref<100002x128xf32, #tpu.memory_space<hbm>> -> memref<100002x128xf32, #tpu.memory_space<hbm>>
    tpu.enqueue_indirect_dma source(%dma_start3A_254 : memref<100002x128xf32, #tpu.memory_space<hbm>>) target(%arg8 : memref<50x128xf32, #tpu.memory_space<vmem>>) offsets(%dma_start3A_251 : memref<50xi32, #tpu.memory_space<vmem>>) semaphore(%arg20 : memref<!tpu.dma_semaphore, #tpu.memory_space<semaphore_mem>>)
    %dma_wait3A_255 = arith.constant 7 : i32
    %dma_wait3A_256 = arith.constant 0 : i32
    %dma_wait3A_257 = tpu.memref_slice %arg5[%dma_wait3A_255, %dma_wait3A_256] : memref<128x50xi32, #tpu.memory_space<vmem>> -> memref<1x50xi32, #tpu.memory_space<vmem>>
    %dma_wait3A_258 = tpu.memref_squeeze %dma_wait3A_257 : memref<1x50xi32, #tpu.memory_space<vmem>> -> memref<50xi32, #tpu.memory_space<vmem>>
    %dma_wait3A_259 = arith.constant 0 : i32
    %dma_wait3A_260 = arith.constant 0 : i32
    %dma_wait3A_261 = tpu.memref_slice %arg2[%dma_wait3A_259, %dma_wait3A_260] : memref<100002x128xf32, #tpu.memory_space<hbm>> -> memref<100002x128xf32, #tpu.memory_space<hbm>>
    tpu.wait_indirect_dma semaphore(%arg25 : memref<!tpu.dma_semaphore, #tpu.memory_space<semaphore_mem>>) src(%dma_wait3A_261 : memref<100002x128xf32, #tpu.memory_space<hbm>>) dst(%arg13 : memref<50x128xf32, #tpu.memory_space<vmem>>)
    %add3A_262 = arith.constant 7 : i32
    %add3A_263 = arith.addi %mul3A_2, %add3A_262 : i32
    %dma_start3A_264 = arith.constant 0 : i32
    %dma_start3A_265 = arith.constant 0 : i32
    %dma_start3A_266 = tpu.memref_slice %arg4[%add3A_263, %dma_start3A_264, %dma_start3A_265] : memref<4096x50x128xf32, #tpu.memory_space<hbm>> -> memref<1x50x128xf32, #tpu.memory_space<hbm>>
    %dma_start3A_267 = tpu.memref_squeeze %dma_start3A_266 : memref<1x50x128xf32, #tpu.memory_space<hbm>> -> memref<50x128xf32, #tpu.memory_space<hbm>>
    %dma_start3A_268 = arith.constant 0 : i32
    %dma_start3A_269 = arith.constant 0 : i32
    %dma_start3A_270 = tpu.memref_slice %arg4[%add3A_263, %dma_start3A_268, %dma_start3A_269] : memref<4096x50x128xf32, #tpu.memory_space<hbm>> -> memref<1x50x128xf32, #tpu.memory_space<hbm>>
    %dma_start3A_271 = tpu.memref_squeeze %dma_start3A_270 : memref<1x50x128xf32, #tpu.memory_space<hbm>> -> memref<50x128xf32, #tpu.memory_space<hbm>>
    tpu.enqueue_dma source(%arg13 : memref<50x128xf32, #tpu.memory_space<vmem>>) target(%dma_start3A_271 : memref<50x128xf32, #tpu.memory_space<hbm>>) target_semaphore(%arg25 : memref<!tpu.dma_semaphore, #tpu.memory_space<semaphore_mem>>)
    %add3A_272 = arith.constant 3 : i32
    %add3A_273 = arith.addi %mul3A_2, %add3A_272 : i32
    %dma_wait3A_274 = arith.constant 0 : i32
    %dma_wait3A_275 = arith.constant 0 : i32
    %dma_wait3A_276 = tpu.memref_slice %arg4[%add3A_273, %dma_wait3A_274, %dma_wait3A_275] : memref<4096x50x128xf32, #tpu.memory_space<hbm>> -> memref<1x50x128xf32, #tpu.memory_space<hbm>>
    %dma_wait3A_277 = tpu.memref_squeeze %dma_wait3A_276 : memref<1x50x128xf32, #tpu.memory_space<hbm>> -> memref<50x128xf32, #tpu.memory_space<hbm>>
    %dma_wait3A_278 = arith.constant 0 : i32
    %dma_wait3A_279 = arith.constant 0 : i32
    %dma_wait3A_280 = tpu.memref_slice %arg4[%add3A_273, %dma_wait3A_278, %dma_wait3A_279] : memref<4096x50x128xf32, #tpu.memory_space<hbm>> -> memref<1x50x128xf32, #tpu.memory_space<hbm>>
    %dma_wait3A_281 = tpu.memref_squeeze %dma_wait3A_280 : memref<1x50x128xf32, #tpu.memory_space<hbm>> -> memref<50x128xf32, #tpu.memory_space<hbm>>
    tpu.wait_dma2 semaphore(%arg21 : memref<!tpu.dma_semaphore, #tpu.memory_space<semaphore_mem>>) src(%arg9 : memref<50x128xf32, #tpu.memory_space<vmem>>) dst(%dma_wait3A_281 : memref<50x128xf32, #tpu.memory_space<hbm>>)
    %dma_start3A_282 = arith.constant 15 : i32
    %dma_start3A_283 = arith.constant 0 : i32
    %dma_start3A_284 = tpu.memref_slice %arg5[%dma_start3A_282, %dma_start3A_283] : memref<128x50xi32, #tpu.memory_space<vmem>> -> memref<1x50xi32, #tpu.memory_space<vmem>>
    %dma_start3A_285 = tpu.memref_squeeze %dma_start3A_284 : memref<1x50xi32, #tpu.memory_space<vmem>> -> memref<50xi32, #tpu.memory_space<vmem>>
    %dma_start3A_286 = arith.constant 0 : i32
    %dma_start3A_287 = arith.constant 0 : i32
    %dma_start3A_288 = tpu.memref_slice %arg2[%dma_start3A_286, %dma_start3A_287] : memref<100002x128xf32, #tpu.memory_space<hbm>> -> memref<100002x128xf32, #tpu.memory_space<hbm>>
    tpu.enqueue_indirect_dma source(%dma_start3A_288 : memref<100002x128xf32, #tpu.memory_space<hbm>>) target(%arg9 : memref<50x128xf32, #tpu.memory_space<vmem>>) offsets(%dma_start3A_285 : memref<50xi32, #tpu.memory_space<vmem>>) semaphore(%arg21 : memref<!tpu.dma_semaphore, #tpu.memory_space<semaphore_mem>>)
    %dma_wait3A_289 = arith.constant 8 : i32
    %dma_wait3A_290 = arith.constant 0 : i32
    %dma_wait3A_291 = tpu.memref_slice %arg5[%dma_wait3A_289, %dma_wait3A_290] : memref<128x50xi32, #tpu.memory_space<vmem>> -> memref<1x50xi32, #tpu.memory_space<vmem>>
    %dma_wait3A_292 = tpu.memref_squeeze %dma_wait3A_291 : memref<1x50xi32, #tpu.memory_space<vmem>> -> memref<50xi32, #tpu.memory_space<vmem>>
    %dma_wait3A_293 = arith.constant 0 : i32
    %dma_wait3A_294 = arith.constant 0 : i32
    %dma_wait3A_295 = tpu.memref_slice %arg2[%dma_wait3A_293, %dma_wait3A_294] : memref<100002x128xf32, #tpu.memory_space<hbm>> -> memref<100002x128xf32, #tpu.memory_space<hbm>>
    tpu.wait_indirect_dma semaphore(%arg26 : memref<!tpu.dma_semaphore, #tpu.memory_space<semaphore_mem>>) src(%dma_wait3A_295 : memref<100002x128xf32, #tpu.memory_space<hbm>>) dst(%arg14 : memref<50x128xf32, #tpu.memory_space<vmem>>)
    %add3A_296 = arith.constant 8 : i32
    %add3A_297 = arith.addi %mul3A_2, %add3A_296 : i32
    %dma_start3A_298 = arith.constant 0 : i32
    %dma_start3A_299 = arith.constant 0 : i32
    %dma_start3A_300 = tpu.memref_slice %arg4[%add3A_297, %dma_start3A_298, %dma_start3A_299] : memref<4096x50x128xf32, #tpu.memory_space<hbm>> -> memref<1x50x128xf32, #tpu.memory_space<hbm>>
    %dma_start3A_301 = tpu.memref_squeeze %dma_start3A_300 : memref<1x50x128xf32, #tpu.memory_space<hbm>> -> memref<50x128xf32, #tpu.memory_space<hbm>>
    %dma_start3A_302 = arith.constant 0 : i32
    %dma_start3A_303 = arith.constant 0 : i32
    %dma_start3A_304 = tpu.memref_slice %arg4[%add3A_297, %dma_start3A_302, %dma_start3A_303] : memref<4096x50x128xf32, #tpu.memory_space<hbm>> -> memref<1x50x128xf32, #tpu.memory_space<hbm>>
    %dma_start3A_305 = tpu.memref_squeeze %dma_start3A_304 : memref<1x50x128xf32, #tpu.memory_space<hbm>> -> memref<50x128xf32, #tpu.memory_space<hbm>>
    tpu.enqueue_dma source(%arg14 : memref<50x128xf32, #tpu.memory_space<vmem>>) target(%dma_start3A_305 : memref<50x128xf32, #tpu.memory_space<hbm>>) target_semaphore(%arg26 : memref<!tpu.dma_semaphore, #tpu.memory_space<semaphore_mem>>)
    %add3A_306 = arith.constant 4 : i32
    %add3A_307 = arith.addi %mul3A_2, %add3A_306 : i32
    %dma_wait3A_308 = arith.constant 0 : i32
    %dma_wait3A_309 = arith.constant 0 : i32
    %dma_wait3A_310 = tpu.memref_slice %arg4[%add3A_307, %dma_wait3A_308, %dma_wait3A_309] : memref<4096x50x128xf32, #tpu.memory_space<hbm>> -> memref<1x50x128xf32, #tpu.memory_space<hbm>>
    %dma_wait3A_311 = tpu.memref_squeeze %dma_wait3A_310 : memref<1x50x128xf32, #tpu.memory_space<hbm>> -> memref<50x128xf32, #tpu.memory_space<hbm>>
    %dma_wait3A_312 = arith.constant 0 : i32
    %dma_wait3A_313 = arith.constant 0 : i32
    %dma_wait3A_314 = tpu.memref_slice %arg4[%add3A_307, %dma_wait3A_312, %dma_wait3A_313] : memref<4096x50x128xf32, #tpu.memory_space<hbm>> -> memref<1x50x128xf32, #tpu.memory_space<hbm>>
    %dma_wait3A_315 = tpu.memref_squeeze %dma_wait3A_314 : memref<1x50x128xf32, #tpu.memory_space<hbm>> -> memref<50x128xf32, #tpu.memory_space<hbm>>
    tpu.wait_dma2 semaphore(%arg22 : memref<!tpu.dma_semaphore, #tpu.memory_space<semaphore_mem>>) src(%arg10 : memref<50x128xf32, #tpu.memory_space<vmem>>) dst(%dma_wait3A_315 : memref<50x128xf32, #tpu.memory_space<hbm>>)
    %dma_start3A_316 = arith.constant 16 : i32
    %dma_start3A_317 = arith.constant 0 : i32
    %dma_start3A_318 = tpu.memref_slice %arg5[%dma_start3A_316, %dma_start3A_317] : memref<128x50xi32, #tpu.memory_space<vmem>> -> memref<1x50xi32, #tpu.memory_space<vmem>>
    %dma_start3A_319 = tpu.memref_squeeze %dma_start3A_318 : memref<1x50xi32, #tpu.memory_space<vmem>> -> memref<50xi32, #tpu.memory_space<vmem>>
    %dma_start3A_320 = arith.constant 0 : i32
    %dma_start3A_321 = arith.constant 0 : i32
    %dma_start3A_322 = tpu.memref_slice %arg2[%dma_start3A_320, %dma_start3A_321] : memref<100002x128xf32, #tpu.memory_space<hbm>> -> memref<100002x128xf32, #tpu.memory_space<hbm>>
    tpu.enqueue_indirect_dma source(%dma_start3A_322 : memref<100002x128xf32, #tpu.memory_space<hbm>>) target(%arg10 : memref<50x128xf32, #tpu.memory_space<vmem>>) offsets(%dma_start3A_319 : memref<50xi32, #tpu.memory_space<vmem>>) semaphore(%arg22 : memref<!tpu.dma_semaphore, #tpu.memory_space<semaphore_mem>>)
    %dma_wait3A_323 = arith.constant 9 : i32
    %dma_wait3A_324 = arith.constant 0 : i32
    %dma_wait3A_325 = tpu.memref_slice %arg5[%dma_wait3A_323, %dma_wait3A_324] : memref<128x50xi32, #tpu.memory_space<vmem>> -> memref<1x50xi32, #tpu.memory_space<vmem>>
    %dma_wait3A_326 = tpu.memref_squeeze %dma_wait3A_325 : memref<1x50xi32, #tpu.memory_space<vmem>> -> memref<50xi32, #tpu.memory_space<vmem>>
    %dma_wait3A_327 = arith.constant 0 : i32
    %dma_wait3A_328 = arith.constant 0 : i32
    %dma_wait3A_329 = tpu.memref_slice %arg2[%dma_wait3A_327, %dma_wait3A_328] : memref<100002x128xf32, #tpu.memory_space<hbm>> -> memref<100002x128xf32, #tpu.memory_space<hbm>>
    tpu.wait_indirect_dma semaphore(%arg27 : memref<!tpu.dma_semaphore, #tpu.memory_space<semaphore_mem>>) src(%dma_wait3A_329 : memref<100002x128xf32, #tpu.memory_space<hbm>>) dst(%arg15 : memref<50x128xf32, #tpu.memory_space<vmem>>)
    %add3A_330 = arith.constant 9 : i32
    %add3A_331 = arith.addi %mul3A_2, %add3A_330 : i32
    %dma_start3A_332 = arith.constant 0 : i32
    %dma_start3A_333 = arith.constant 0 : i32
    %dma_start3A_334 = tpu.memref_slice %arg4[%add3A_331, %dma_start3A_332, %dma_start3A_333] : memref<4096x50x128xf32, #tpu.memory_space<hbm>> -> memref<1x50x128xf32, #tpu.memory_space<hbm>>
    %dma_start3A_335 = tpu.memref_squeeze %dma_start3A_334 : memref<1x50x128xf32, #tpu.memory_space<hbm>> -> memref<50x128xf32, #tpu.memory_space<hbm>>
    %dma_start3A_336 = arith.constant 0 : i32
    %dma_start3A_337 = arith.constant 0 : i32
    %dma_start3A_338 = tpu.memref_slice %arg4[%add3A_331, %dma_start3A_336, %dma_start3A_337] : memref<4096x50x128xf32, #tpu.memory_space<hbm>> -> memref<1x50x128xf32, #tpu.memory_space<hbm>>
    %dma_start3A_339 = tpu.memref_squeeze %dma_start3A_338 : memref<1x50x128xf32, #tpu.memory_space<hbm>> -> memref<50x128xf32, #tpu.memory_space<hbm>>
    tpu.enqueue_dma source(%arg15 : memref<50x128xf32, #tpu.memory_space<vmem>>) target(%dma_start3A_339 : memref<50x128xf32, #tpu.memory_space<hbm>>) target_semaphore(%arg27 : memref<!tpu.dma_semaphore, #tpu.memory_space<semaphore_mem>>)
    %add3A_340 = arith.constant 5 : i32
    %add3A_341 = arith.addi %mul3A_2, %add3A_340 : i32
    %dma_wait3A_342 = arith.constant 0 : i32
    %dma_wait3A_343 = arith.constant 0 : i32
    %dma_wait3A_344 = tpu.memref_slice %arg4[%add3A_341, %dma_wait3A_342, %dma_wait3A_343] : memref<4096x50x128xf32, #tpu.memory_space<hbm>> -> memref<1x50x128xf32, #tpu.memory_space<hbm>>
    %dma_wait3A_345 = tpu.memref_squeeze %dma_wait3A_344 : memref<1x50x128xf32, #tpu.memory_space<hbm>> -> memref<50x128xf32, #tpu.memory_space<hbm>>
    %dma_wait3A_346 = arith.constant 0 : i32
    %dma_wait3A_347 = arith.constant 0 : i32
    %dma_wait3A_348 = tpu.memref_slice %arg4[%add3A_341, %dma_wait3A_346, %dma_wait3A_347] : memref<4096x50x128xf32, #tpu.memory_space<hbm>> -> memref<1x50x128xf32, #tpu.memory_space<hbm>>
    %dma_wait3A_349 = tpu.memref_squeeze %dma_wait3A_348 : memref<1x50x128xf32, #tpu.memory_space<hbm>> -> memref<50x128xf32, #tpu.memory_space<hbm>>
    tpu.wait_dma2 semaphore(%arg23 : memref<!tpu.dma_semaphore, #tpu.memory_space<semaphore_mem>>) src(%arg11 : memref<50x128xf32, #tpu.memory_space<vmem>>) dst(%dma_wait3A_349 : memref<50x128xf32, #tpu.memory_space<hbm>>)
    %dma_start3A_350 = arith.constant 17 : i32
    %dma_start3A_351 = arith.constant 0 : i32
    %dma_start3A_352 = tpu.memref_slice %arg5[%dma_start3A_350, %dma_start3A_351] : memref<128x50xi32, #tpu.memory_space<vmem>> -> memref<1x50xi32, #tpu.memory_space<vmem>>
    %dma_start3A_353 = tpu.memref_squeeze %dma_start3A_352 : memref<1x50xi32, #tpu.memory_space<vmem>> -> memref<50xi32, #tpu.memory_space<vmem>>
    %dma_start3A_354 = arith.constant 0 : i32
    %dma_start3A_355 = arith.constant 0 : i32
    %dma_start3A_356 = tpu.memref_slice %arg2[%dma_start3A_354, %dma_start3A_355] : memref<100002x128xf32, #tpu.memory_space<hbm>> -> memref<100002x128xf32, #tpu.memory_space<hbm>>
    tpu.enqueue_indirect_dma source(%dma_start3A_356 : memref<100002x128xf32, #tpu.memory_space<hbm>>) target(%arg11 : memref<50x128xf32, #tpu.memory_space<vmem>>) offsets(%dma_start3A_353 : memref<50xi32, #tpu.memory_space<vmem>>) semaphore(%arg23 : memref<!tpu.dma_semaphore, #tpu.memory_space<semaphore_mem>>)
    %dma_wait3A_357 = arith.constant 10 : i32
    %dma_wait3A_358 = arith.constant 0 : i32
    %dma_wait3A_359 = tpu.memref_slice %arg5[%dma_wait3A_357, %dma_wait3A_358] : memref<128x50xi32, #tpu.memory_space<vmem>> -> memref<1x50xi32, #tpu.memory_space<vmem>>
    %dma_wait3A_360 = tpu.memref_squeeze %dma_wait3A_359 : memref<1x50xi32, #tpu.memory_space<vmem>> -> memref<50xi32, #tpu.memory_space<vmem>>
    %dma_wait3A_361 = arith.constant 0 : i32
    %dma_wait3A_362 = arith.constant 0 : i32
    %dma_wait3A_363 = tpu.memref_slice %arg2[%dma_wait3A_361, %dma_wait3A_362] : memref<100002x128xf32, #tpu.memory_space<hbm>> -> memref<100002x128xf32, #tpu.memory_space<hbm>>
    tpu.wait_indirect_dma semaphore(%arg28 : memref<!tpu.dma_semaphore, #tpu.memory_space<semaphore_mem>>) src(%dma_wait3A_363 : memref<100002x128xf32, #tpu.memory_space<hbm>>) dst(%arg16 : memref<50x128xf32, #tpu.memory_space<vmem>>)
    %add3A_364 = arith.constant 10 : i32
    %add3A_365 = arith.addi %mul3A_2, %add3A_364 : i32
    %dma_start3A_366 = arith.constant 0 : i32
    %dma_start3A_367 = arith.constant 0 : i32
    %dma_start3A_368 = tpu.memref_slice %arg4[%add3A_365, %dma_start3A_366, %dma_start3A_367] : memref<4096x50x128xf32, #tpu.memory_space<hbm>> -> memref<1x50x128xf32, #tpu.memory_space<hbm>>
    %dma_start3A_369 = tpu.memref_squeeze %dma_start3A_368 : memref<1x50x128xf32, #tpu.memory_space<hbm>> -> memref<50x128xf32, #tpu.memory_space<hbm>>
    %dma_start3A_370 = arith.constant 0 : i32
    %dma_start3A_371 = arith.constant 0 : i32
    %dma_start3A_372 = tpu.memref_slice %arg4[%add3A_365, %dma_start3A_370, %dma_start3A_371] : memref<4096x50x128xf32, #tpu.memory_space<hbm>> -> memref<1x50x128xf32, #tpu.memory_space<hbm>>
    %dma_start3A_373 = tpu.memref_squeeze %dma_start3A_372 : memref<1x50x128xf32, #tpu.memory_space<hbm>> -> memref<50x128xf32, #tpu.memory_space<hbm>>
    tpu.enqueue_dma source(%arg16 : memref<50x128xf32, #tpu.memory_space<vmem>>) target(%dma_start3A_373 : memref<50x128xf32, #tpu.memory_space<hbm>>) target_semaphore(%arg28 : memref<!tpu.dma_semaphore, #tpu.memory_space<semaphore_mem>>)
    %add3A_374 = arith.constant 6 : i32
    %add3A_375 = arith.addi %mul3A_2, %add3A_374 : i32
    %dma_wait3A_376 = arith.constant 0 : i32
    %dma_wait3A_377 = arith.constant 0 : i32
    %dma_wait3A_378 = tpu.memref_slice %arg4[%add3A_375, %dma_wait3A_376, %dma_wait3A_377] : memref<4096x50x128xf32, #tpu.memory_space<hbm>> -> memref<1x50x128xf32, #tpu.memory_space<hbm>>
    %dma_wait3A_379 = tpu.memref_squeeze %dma_wait3A_378 : memref<1x50x128xf32, #tpu.memory_space<hbm>> -> memref<50x128xf32, #tpu.memory_space<hbm>>
    %dma_wait3A_380 = arith.constant 0 : i32
    %dma_wait3A_381 = arith.constant 0 : i32
    %dma_wait3A_382 = tpu.memref_slice %arg4[%add3A_375, %dma_wait3A_380, %dma_wait3A_381] : memref<4096x50x128xf32, #tpu.memory_space<hbm>> -> memref<1x50x128xf32, #tpu.memory_space<hbm>>
    %dma_wait3A_383 = tpu.memref_squeeze %dma_wait3A_382 : memref<1x50x128xf32, #tpu.memory_space<hbm>> -> memref<50x128xf32, #tpu.memory_space<hbm>>
    tpu.wait_dma2 semaphore(%arg24 : memref<!tpu.dma_semaphore, #tpu.memory_space<semaphore_mem>>) src(%arg12 : memref<50x128xf32, #tpu.memory_space<vmem>>) dst(%dma_wait3A_383 : memref<50x128xf32, #tpu.memory_space<hbm>>)
    %dma_start3A_384 = arith.constant 18 : i32
    %dma_start3A_385 = arith.constant 0 : i32
    %dma_start3A_386 = tpu.memref_slice %arg5[%dma_start3A_384, %dma_start3A_385] : memref<128x50xi32, #tpu.memory_space<vmem>> -> memref<1x50xi32, #tpu.memory_space<vmem>>
    %dma_start3A_387 = tpu.memref_squeeze %dma_start3A_386 : memref<1x50xi32, #tpu.memory_space<vmem>> -> memref<50xi32, #tpu.memory_space<vmem>>
    %dma_start3A_388 = arith.constant 0 : i32
    %dma_start3A_389 = arith.constant 0 : i32
    %dma_start3A_390 = tpu.memref_slice %arg2[%dma_start3A_388, %dma_start3A_389] : memref<100002x128xf32, #tpu.memory_space<hbm>> -> memref<100002x128xf32, #tpu.memory_space<hbm>>
    tpu.enqueue_indirect_dma source(%dma_start3A_390 : memref<100002x128xf32, #tpu.memory_space<hbm>>) target(%arg12 : memref<50x128xf32, #tpu.memory_space<vmem>>) offsets(%dma_start3A_387 : memref<50xi32, #tpu.memory_space<vmem>>) semaphore(%arg24 : memref<!tpu.dma_semaphore, #tpu.memory_space<semaphore_mem>>)
    %dma_wait3A_391 = arith.constant 11 : i32
    %dma_wait3A_392 = arith.constant 0 : i32
    %dma_wait3A_393 = tpu.memref_slice %arg5[%dma_wait3A_391, %dma_wait3A_392] : memref<128x50xi32, #tpu.memory_space<vmem>> -> memref<1x50xi32, #tpu.memory_space<vmem>>
    %dma_wait3A_394 = tpu.memref_squeeze %dma_wait3A_393 : memref<1x50xi32, #tpu.memory_space<vmem>> -> memref<50xi32, #tpu.memory_space<vmem>>
    %dma_wait3A_395 = arith.constant 0 : i32
    %dma_wait3A_396 = arith.constant 0 : i32
    %dma_wait3A_397 = tpu.memref_slice %arg2[%dma_wait3A_395, %dma_wait3A_396] : memref<100002x128xf32, #tpu.memory_space<hbm>> -> memref<100002x128xf32, #tpu.memory_space<hbm>>
    tpu.wait_indirect_dma semaphore(%arg29 : memref<!tpu.dma_semaphore, #tpu.memory_space<semaphore_mem>>) src(%dma_wait3A_397 : memref<100002x128xf32, #tpu.memory_space<hbm>>) dst(%arg17 : memref<50x128xf32, #tpu.memory_space<vmem>>)
    %add3A_398 = arith.constant 11 : i32
    %add3A_399 = arith.addi %mul3A_2, %add3A_398 : i32
    %dma_start3A_400 = arith.constant 0 : i32
    %dma_start3A_401 = arith.constant 0 : i32
    %dma_start3A_402 = tpu.memref_slice %arg4[%add3A_399, %dma_start3A_400, %dma_start3A_401] : memref<4096x50x128xf32, #tpu.memory_space<hbm>> -> memref<1x50x128xf32, #tpu.memory_space<hbm>>
    %dma_start3A_403 = tpu.memref_squeeze %dma_start3A_402 : memref<1x50x128xf32, #tpu.memory_space<hbm>> -> memref<50x128xf32, #tpu.memory_space<hbm>>
    %dma_start3A_404 = arith.constant 0 : i32
    %dma_start3A_405 = arith.constant 0 : i32
    %dma_start3A_406 = tpu.memref_slice %arg4[%add3A_399, %dma_start3A_404, %dma_start3A_405] : memref<4096x50x128xf32, #tpu.memory_space<hbm>> -> memref<1x50x128xf32, #tpu.memory_space<hbm>>
    %dma_start3A_407 = tpu.memref_squeeze %dma_start3A_406 : memref<1x50x128xf32, #tpu.memory_space<hbm>> -> memref<50x128xf32, #tpu.memory_space<hbm>>
    tpu.enqueue_dma source(%arg17 : memref<50x128xf32, #tpu.memory_space<vmem>>) target(%dma_start3A_407 : memref<50x128xf32, #tpu.memory_space<hbm>>) target_semaphore(%arg29 : memref<!tpu.dma_semaphore, #tpu.memory_space<semaphore_mem>>)
    %add3A_408 = arith.constant 7 : i32
    %add3A_409 = arith.addi %mul3A_2, %add3A_408 : i32
    %dma_wait3A_410 = arith.constant 0 : i32
    %dma_wait3A_411 = arith.constant 0 : i32
    %dma_wait3A_412 = tpu.memref_slice %arg4[%add3A_409, %dma_wait3A_410, %dma_wait3A_411] : memref<4096x50x128xf32, #tpu.memory_space<hbm>> -> memref<1x50x128xf32, #tpu.memory_space<hbm>>
    %dma_wait3A_413 = tpu.memref_squeeze %dma_wait3A_412 : memref<1x50x128xf32, #tpu.memory_space<hbm>> -> memref<50x128xf32, #tpu.memory_space<hbm>>
    %dma_wait3A_414 = arith.constant 0 : i32
    %dma_wait3A_415 = arith.constant 0 : i32
    %dma_wait3A_416 = tpu.memref_slice %arg4[%add3A_409, %dma_wait3A_414, %dma_wait3A_415] : memref<4096x50x128xf32, #tpu.memory_space<hbm>> -> memref<1x50x128xf32, #tpu.memory_space<hbm>>
    %dma_wait3A_417 = tpu.memref_squeeze %dma_wait3A_416 : memref<1x50x128xf32, #tpu.memory_space<hbm>> -> memref<50x128xf32, #tpu.memory_space<hbm>>
    tpu.wait_dma2 semaphore(%arg25 : memref<!tpu.dma_semaphore, #tpu.memory_space<semaphore_mem>>) src(%arg13 : memref<50x128xf32, #tpu.memory_space<vmem>>) dst(%dma_wait3A_417 : memref<50x128xf32, #tpu.memory_space<hbm>>)
    %dma_start3A_418 = arith.constant 19 : i32
    %dma_start3A_419 = arith.constant 0 : i32
    %dma_start3A_420 = tpu.memref_slice %arg5[%dma_start3A_418, %dma_start3A_419] : memref<128x50xi32, #tpu.memory_space<vmem>> -> memref<1x50xi32, #tpu.memory_space<vmem>>
    %dma_start3A_421 = tpu.memref_squeeze %dma_start3A_420 : memref<1x50xi32, #tpu.memory_space<vmem>> -> memref<50xi32, #tpu.memory_space<vmem>>
    %dma_start3A_422 = arith.constant 0 : i32
    %dma_start3A_423 = arith.constant 0 : i32
    %dma_start3A_424 = tpu.memref_slice %arg2[%dma_start3A_422, %dma_start3A_423] : memref<100002x128xf32, #tpu.memory_space<hbm>> -> memref<100002x128xf32, #tpu.memory_space<hbm>>
    tpu.enqueue_indirect_dma source(%dma_start3A_424 : memref<100002x128xf32, #tpu.memory_space<hbm>>) target(%arg13 : memref<50x128xf32, #tpu.memory_space<vmem>>) offsets(%dma_start3A_421 : memref<50xi32, #tpu.memory_space<vmem>>) semaphore(%arg25 : memref<!tpu.dma_semaphore, #tpu.memory_space<semaphore_mem>>)
    %scan3A = arith.constant 0 : i32
    %scan3A_425 = arith.constant 0 : i32
    %scan3A_426 = arith.constant 9 : i32
    %scan3A_427 = arith.addi %scan3A_425, %scan3A_426 : i32
    %scan3A_428 = arith.constant 1 : i32
    scf.for %scan3A_686 = %scan3A_425 to %scan3A_427 step %scan3A_428  : i32 {
      %mul3A_687 = arith.constant 12 : i32
      %mul3A_688 = arith.muli %scan3A_686, %mul3A_687 : i32
      %add3A_689 = arith.constant 12 : i32
      %add3A_690 = arith.addi %add3A_689, %mul3A_688 : i32
      %add3A_691 = arith.constant 0 : i32
      %add3A_692 = arith.addi %add3A_690, %add3A_691 : i32
      %dma_wait3A_693 = arith.constant 0 : i32
      %dma_wait3A_694 = tpu.memref_slice %arg5[%add3A_692, %dma_wait3A_693] : memref<128x50xi32, #tpu.memory_space<vmem>> -> memref<1x50xi32, #tpu.memory_space<vmem>>
      %dma_wait3A_695 = tpu.memref_squeeze %dma_wait3A_694 : memref<1x50xi32, #tpu.memory_space<vmem>> -> memref<50xi32, #tpu.memory_space<vmem>>
      %dma_wait3A_696 = arith.constant 0 : i32
      %dma_wait3A_697 = arith.constant 0 : i32
      %dma_wait3A_698 = tpu.memref_slice %arg2[%dma_wait3A_696, %dma_wait3A_697] : memref<100002x128xf32, #tpu.memory_space<hbm>> -> memref<100002x128xf32, #tpu.memory_space<hbm>>
      tpu.wait_indirect_dma semaphore(%arg18 : memref<!tpu.dma_semaphore, #tpu.memory_space<semaphore_mem>>) src(%dma_wait3A_698 : memref<100002x128xf32, #tpu.memory_space<hbm>>) dst(%arg6 : memref<50x128xf32, #tpu.memory_space<vmem>>)
      %add3A_699 = arith.addi %mul3A_2, %add3A_692 : i32
      %dma_start3A_700 = arith.constant 0 : i32
      %dma_start3A_701 = arith.constant 0 : i32
      %dma_start3A_702 = tpu.memref_slice %arg4[%add3A_699, %dma_start3A_700, %dma_start3A_701] : memref<4096x50x128xf32, #tpu.memory_space<hbm>> -> memref<1x50x128xf32, #tpu.memory_space<hbm>>
      %dma_start3A_703 = tpu.memref_squeeze %dma_start3A_702 : memref<1x50x128xf32, #tpu.memory_space<hbm>> -> memref<50x128xf32, #tpu.memory_space<hbm>>
      %dma_start3A_704 = arith.constant 0 : i32
      %dma_start3A_705 = arith.constant 0 : i32
      %dma_start3A_706 = tpu.memref_slice %arg4[%add3A_699, %dma_start3A_704, %dma_start3A_705] : memref<4096x50x128xf32, #tpu.memory_space<hbm>> -> memref<1x50x128xf32, #tpu.memory_space<hbm>>
      %dma_start3A_707 = tpu.memref_squeeze %dma_start3A_706 : memref<1x50x128xf32, #tpu.memory_space<hbm>> -> memref<50x128xf32, #tpu.memory_space<hbm>>
      tpu.enqueue_dma source(%arg6 : memref<50x128xf32, #tpu.memory_space<vmem>>) target(%dma_start3A_707 : memref<50x128xf32, #tpu.memory_space<hbm>>) target_semaphore(%arg18 : memref<!tpu.dma_semaphore, #tpu.memory_space<semaphore_mem>>)
      %add3A_708 = arith.constant 8 : i32
      %add3A_709 = arith.addi %add3A_692, %add3A_708 : i32
      %sub3A = arith.constant 12 : i32
      %sub3A_710 = arith.subi %add3A_709, %sub3A : i32
      %add3A_711 = arith.addi %mul3A_2, %sub3A_710 : i32
      %dma_wait3A_712 = arith.constant 0 : i32
      %dma_wait3A_713 = arith.constant 0 : i32
      %dma_wait3A_714 = tpu.memref_slice %arg4[%add3A_711, %dma_wait3A_712, %dma_wait3A_713] : memref<4096x50x128xf32, #tpu.memory_space<hbm>> -> memref<1x50x128xf32, #tpu.memory_space<hbm>>
      %dma_wait3A_715 = tpu.memref_squeeze %dma_wait3A_714 : memref<1x50x128xf32, #tpu.memory_space<hbm>> -> memref<50x128xf32, #tpu.memory_space<hbm>>
      %dma_wait3A_716 = arith.constant 0 : i32
      %dma_wait3A_717 = arith.constant 0 : i32
      %dma_wait3A_718 = tpu.memref_slice %arg4[%add3A_711, %dma_wait3A_716, %dma_wait3A_717] : memref<4096x50x128xf32, #tpu.memory_space<hbm>> -> memref<1x50x128xf32, #tpu.memory_space<hbm>>
      %dma_wait3A_719 = tpu.memref_squeeze %dma_wait3A_718 : memref<1x50x128xf32, #tpu.memory_space<hbm>> -> memref<50x128xf32, #tpu.memory_space<hbm>>
      tpu.wait_dma2 semaphore(%arg26 : memref<!tpu.dma_semaphore, #tpu.memory_space<semaphore_mem>>) src(%arg14 : memref<50x128xf32, #tpu.memory_space<vmem>>) dst(%dma_wait3A_719 : memref<50x128xf32, #tpu.memory_space<hbm>>)
      %add3A_720 = arith.constant 8 : i32
      %add3A_721 = arith.addi %add3A_692, %add3A_720 : i32
      %dma_start3A_722 = arith.constant 0 : i32
      %dma_start3A_723 = tpu.memref_slice %arg5[%add3A_721, %dma_start3A_722] : memref<128x50xi32, #tpu.memory_space<vmem>> -> memref<1x50xi32, #tpu.memory_space<vmem>>
      %dma_start3A_724 = tpu.memref_squeeze %dma_start3A_723 : memref<1x50xi32, #tpu.memory_space<vmem>> -> memref<50xi32, #tpu.memory_space<vmem>>
      %dma_start3A_725 = arith.constant 0 : i32
      %dma_start3A_726 = arith.constant 0 : i32
      %dma_start3A_727 = tpu.memref_slice %arg2[%dma_start3A_725, %dma_start3A_726] : memref<100002x128xf32, #tpu.memory_space<hbm>> -> memref<100002x128xf32, #tpu.memory_space<hbm>>
      tpu.enqueue_indirect_dma source(%dma_start3A_727 : memref<100002x128xf32, #tpu.memory_space<hbm>>) target(%arg14 : memref<50x128xf32, #tpu.memory_space<vmem>>) offsets(%dma_start3A_724 : memref<50xi32, #tpu.memory_space<vmem>>) semaphore(%arg26 : memref<!tpu.dma_semaphore, #tpu.memory_space<semaphore_mem>>)
      %add3A_728 = arith.constant 1 : i32
      %add3A_729 = arith.addi %add3A_690, %add3A_728 : i32
      %dma_wait3A_730 = arith.constant 0 : i32
      %dma_wait3A_731 = tpu.memref_slice %arg5[%add3A_729, %dma_wait3A_730] : memref<128x50xi32, #tpu.memory_space<vmem>> -> memref<1x50xi32, #tpu.memory_space<vmem>>
      %dma_wait3A_732 = tpu.memref_squeeze %dma_wait3A_731 : memref<1x50xi32, #tpu.memory_space<vmem>> -> memref<50xi32, #tpu.memory_space<vmem>>
      %dma_wait3A_733 = arith.constant 0 : i32
      %dma_wait3A_734 = arith.constant 0 : i32
      %dma_wait3A_735 = tpu.memref_slice %arg2[%dma_wait3A_733, %dma_wait3A_734] : memref<100002x128xf32, #tpu.memory_space<hbm>> -> memref<100002x128xf32, #tpu.memory_space<hbm>>
      tpu.wait_indirect_dma semaphore(%arg19 : memref<!tpu.dma_semaphore, #tpu.memory_space<semaphore_mem>>) src(%dma_wait3A_735 : memref<100002x128xf32, #tpu.memory_space<hbm>>) dst(%arg7 : memref<50x128xf32, #tpu.memory_space<vmem>>)
      %add3A_736 = arith.addi %mul3A_2, %add3A_729 : i32
      %dma_start3A_737 = arith.constant 0 : i32
      %dma_start3A_738 = arith.constant 0 : i32
      %dma_start3A_739 = tpu.memref_slice %arg4[%add3A_736, %dma_start3A_737, %dma_start3A_738] : memref<4096x50x128xf32, #tpu.memory_space<hbm>> -> memref<1x50x128xf32, #tpu.memory_space<hbm>>
      %dma_start3A_740 = tpu.memref_squeeze %dma_start3A_739 : memref<1x50x128xf32, #tpu.memory_space<hbm>> -> memref<50x128xf32, #tpu.memory_space<hbm>>
      %dma_start3A_741 = arith.constant 0 : i32
      %dma_start3A_742 = arith.constant 0 : i32
      %dma_start3A_743 = tpu.memref_slice %arg4[%add3A_736, %dma_start3A_741, %dma_start3A_742] : memref<4096x50x128xf32, #tpu.memory_space<hbm>> -> memref<1x50x128xf32, #tpu.memory_space<hbm>>
      %dma_start3A_744 = tpu.memref_squeeze %dma_start3A_743 : memref<1x50x128xf32, #tpu.memory_space<hbm>> -> memref<50x128xf32, #tpu.memory_space<hbm>>
      tpu.enqueue_dma source(%arg7 : memref<50x128xf32, #tpu.memory_space<vmem>>) target(%dma_start3A_744 : memref<50x128xf32, #tpu.memory_space<hbm>>) target_semaphore(%arg19 : memref<!tpu.dma_semaphore, #tpu.memory_space<semaphore_mem>>)
      %add3A_745 = arith.constant 8 : i32
      %add3A_746 = arith.addi %add3A_729, %add3A_745 : i32
      %sub3A_747 = arith.constant 12 : i32
      %sub3A_748 = arith.subi %add3A_746, %sub3A_747 : i32
      %add3A_749 = arith.addi %mul3A_2, %sub3A_748 : i32
      %dma_wait3A_750 = arith.constant 0 : i32
      %dma_wait3A_751 = arith.constant 0 : i32
      %dma_wait3A_752 = tpu.memref_slice %arg4[%add3A_749, %dma_wait3A_750, %dma_wait3A_751] : memref<4096x50x128xf32, #tpu.memory_space<hbm>> -> memref<1x50x128xf32, #tpu.memory_space<hbm>>
      %dma_wait3A_753 = tpu.memref_squeeze %dma_wait3A_752 : memref<1x50x128xf32, #tpu.memory_space<hbm>> -> memref<50x128xf32, #tpu.memory_space<hbm>>
      %dma_wait3A_754 = arith.constant 0 : i32
      %dma_wait3A_755 = arith.constant 0 : i32
      %dma_wait3A_756 = tpu.memref_slice %arg4[%add3A_749, %dma_wait3A_754, %dma_wait3A_755] : memref<4096x50x128xf32, #tpu.memory_space<hbm>> -> memref<1x50x128xf32, #tpu.memory_space<hbm>>
      %dma_wait3A_757 = tpu.memref_squeeze %dma_wait3A_756 : memref<1x50x128xf32, #tpu.memory_space<hbm>> -> memref<50x128xf32, #tpu.memory_space<hbm>>
      tpu.wait_dma2 semaphore(%arg27 : memref<!tpu.dma_semaphore, #tpu.memory_space<semaphore_mem>>) src(%arg15 : memref<50x128xf32, #tpu.memory_space<vmem>>) dst(%dma_wait3A_757 : memref<50x128xf32, #tpu.memory_space<hbm>>)
      %add3A_758 = arith.constant 8 : i32
      %add3A_759 = arith.addi %add3A_729, %add3A_758 : i32
      %dma_start3A_760 = arith.constant 0 : i32
      %dma_start3A_761 = tpu.memref_slice %arg5[%add3A_759, %dma_start3A_760] : memref<128x50xi32, #tpu.memory_space<vmem>> -> memref<1x50xi32, #tpu.memory_space<vmem>>
      %dma_start3A_762 = tpu.memref_squeeze %dma_start3A_761 : memref<1x50xi32, #tpu.memory_space<vmem>> -> memref<50xi32, #tpu.memory_space<vmem>>
      %dma_start3A_763 = arith.constant 0 : i32
      %dma_start3A_764 = arith.constant 0 : i32
      %dma_start3A_765 = tpu.memref_slice %arg2[%dma_start3A_763, %dma_start3A_764] : memref<100002x128xf32, #tpu.memory_space<hbm>> -> memref<100002x128xf32, #tpu.memory_space<hbm>>
      tpu.enqueue_indirect_dma source(%dma_start3A_765 : memref<100002x128xf32, #tpu.memory_space<hbm>>) target(%arg15 : memref<50x128xf32, #tpu.memory_space<vmem>>) offsets(%dma_start3A_762 : memref<50xi32, #tpu.memory_space<vmem>>) semaphore(%arg27 : memref<!tpu.dma_semaphore, #tpu.memory_space<semaphore_mem>>)
      %add3A_766 = arith.constant 2 : i32
      %add3A_767 = arith.addi %add3A_690, %add3A_766 : i32
      %dma_wait3A_768 = arith.constant 0 : i32
      %dma_wait3A_769 = tpu.memref_slice %arg5[%add3A_767, %dma_wait3A_768] : memref<128x50xi32, #tpu.memory_space<vmem>> -> memref<1x50xi32, #tpu.memory_space<vmem>>
      %dma_wait3A_770 = tpu.memref_squeeze %dma_wait3A_769 : memref<1x50xi32, #tpu.memory_space<vmem>> -> memref<50xi32, #tpu.memory_space<vmem>>
      %dma_wait3A_771 = arith.constant 0 : i32
      %dma_wait3A_772 = arith.constant 0 : i32
      %dma_wait3A_773 = tpu.memref_slice %arg2[%dma_wait3A_771, %dma_wait3A_772] : memref<100002x128xf32, #tpu.memory_space<hbm>> -> memref<100002x128xf32, #tpu.memory_space<hbm>>
      tpu.wait_indirect_dma semaphore(%arg20 : memref<!tpu.dma_semaphore, #tpu.memory_space<semaphore_mem>>) src(%dma_wait3A_773 : memref<100002x128xf32, #tpu.memory_space<hbm>>) dst(%arg8 : memref<50x128xf32, #tpu.memory_space<vmem>>)
      %add3A_774 = arith.addi %mul3A_2, %add3A_767 : i32
      %dma_start3A_775 = arith.constant 0 : i32
      %dma_start3A_776 = arith.constant 0 : i32
      %dma_start3A_777 = tpu.memref_slice %arg4[%add3A_774, %dma_start3A_775, %dma_start3A_776] : memref<4096x50x128xf32, #tpu.memory_space<hbm>> -> memref<1x50x128xf32, #tpu.memory_space<hbm>>
      %dma_start3A_778 = tpu.memref_squeeze %dma_start3A_777 : memref<1x50x128xf32, #tpu.memory_space<hbm>> -> memref<50x128xf32, #tpu.memory_space<hbm>>
      %dma_start3A_779 = arith.constant 0 : i32
      %dma_start3A_780 = arith.constant 0 : i32
      %dma_start3A_781 = tpu.memref_slice %arg4[%add3A_774, %dma_start3A_779, %dma_start3A_780] : memref<4096x50x128xf32, #tpu.memory_space<hbm>> -> memref<1x50x128xf32, #tpu.memory_space<hbm>>
      %dma_start3A_782 = tpu.memref_squeeze %dma_start3A_781 : memref<1x50x128xf32, #tpu.memory_space<hbm>> -> memref<50x128xf32, #tpu.memory_space<hbm>>
      tpu.enqueue_dma source(%arg8 : memref<50x128xf32, #tpu.memory_space<vmem>>) target(%dma_start3A_782 : memref<50x128xf32, #tpu.memory_space<hbm>>) target_semaphore(%arg20 : memref<!tpu.dma_semaphore, #tpu.memory_space<semaphore_mem>>)
      %add3A_783 = arith.constant 8 : i32
      %add3A_784 = arith.addi %add3A_767, %add3A_783 : i32
      %sub3A_785 = arith.constant 12 : i32
      %sub3A_786 = arith.subi %add3A_784, %sub3A_785 : i32
      %add3A_787 = arith.addi %mul3A_2, %sub3A_786 : i32
      %dma_wait3A_788 = arith.constant 0 : i32
      %dma_wait3A_789 = arith.constant 0 : i32
      %dma_wait3A_790 = tpu.memref_slice %arg4[%add3A_787, %dma_wait3A_788, %dma_wait3A_789] : memref<4096x50x128xf32, #tpu.memory_space<hbm>> -> memref<1x50x128xf32, #tpu.memory_space<hbm>>
      %dma_wait3A_791 = tpu.memref_squeeze %dma_wait3A_790 : memref<1x50x128xf32, #tpu.memory_space<hbm>> -> memref<50x128xf32, #tpu.memory_space<hbm>>
      %dma_wait3A_792 = arith.constant 0 : i32
      %dma_wait3A_793 = arith.constant 0 : i32
      %dma_wait3A_794 = tpu.memref_slice %arg4[%add3A_787, %dma_wait3A_792, %dma_wait3A_793] : memref<4096x50x128xf32, #tpu.memory_space<hbm>> -> memref<1x50x128xf32, #tpu.memory_space<hbm>>
      %dma_wait3A_795 = tpu.memref_squeeze %dma_wait3A_794 : memref<1x50x128xf32, #tpu.memory_space<hbm>> -> memref<50x128xf32, #tpu.memory_space<hbm>>
      tpu.wait_dma2 semaphore(%arg28 : memref<!tpu.dma_semaphore, #tpu.memory_space<semaphore_mem>>) src(%arg16 : memref<50x128xf32, #tpu.memory_space<vmem>>) dst(%dma_wait3A_795 : memref<50x128xf32, #tpu.memory_space<hbm>>)
      %add3A_796 = arith.constant 8 : i32
      %add3A_797 = arith.addi %add3A_767, %add3A_796 : i32
      %dma_start3A_798 = arith.constant 0 : i32
      %dma_start3A_799 = tpu.memref_slice %arg5[%add3A_797, %dma_start3A_798] : memref<128x50xi32, #tpu.memory_space<vmem>> -> memref<1x50xi32, #tpu.memory_space<vmem>>
      %dma_start3A_800 = tpu.memref_squeeze %dma_start3A_799 : memref<1x50xi32, #tpu.memory_space<vmem>> -> memref<50xi32, #tpu.memory_space<vmem>>
      %dma_start3A_801 = arith.constant 0 : i32
      %dma_start3A_802 = arith.constant 0 : i32
      %dma_start3A_803 = tpu.memref_slice %arg2[%dma_start3A_801, %dma_start3A_802] : memref<100002x128xf32, #tpu.memory_space<hbm>> -> memref<100002x128xf32, #tpu.memory_space<hbm>>
      tpu.enqueue_indirect_dma source(%dma_start3A_803 : memref<100002x128xf32, #tpu.memory_space<hbm>>) target(%arg16 : memref<50x128xf32, #tpu.memory_space<vmem>>) offsets(%dma_start3A_800 : memref<50xi32, #tpu.memory_space<vmem>>) semaphore(%arg28 : memref<!tpu.dma_semaphore, #tpu.memory_space<semaphore_mem>>)
      %add3A_804 = arith.constant 3 : i32
      %add3A_805 = arith.addi %add3A_690, %add3A_804 : i32
      %dma_wait3A_806 = arith.constant 0 : i32
      %dma_wait3A_807 = tpu.memref_slice %arg5[%add3A_805, %dma_wait3A_806] : memref<128x50xi32, #tpu.memory_space<vmem>> -> memref<1x50xi32, #tpu.memory_space<vmem>>
      %dma_wait3A_808 = tpu.memref_squeeze %dma_wait3A_807 : memref<1x50xi32, #tpu.memory_space<vmem>> -> memref<50xi32, #tpu.memory_space<vmem>>
      %dma_wait3A_809 = arith.constant 0 : i32
      %dma_wait3A_810 = arith.constant 0 : i32
      %dma_wait3A_811 = tpu.memref_slice %arg2[%dma_wait3A_809, %dma_wait3A_810] : memref<100002x128xf32, #tpu.memory_space<hbm>> -> memref<100002x128xf32, #tpu.memory_space<hbm>>
      tpu.wait_indirect_dma semaphore(%arg21 : memref<!tpu.dma_semaphore, #tpu.memory_space<semaphore_mem>>) src(%dma_wait3A_811 : memref<100002x128xf32, #tpu.memory_space<hbm>>) dst(%arg9 : memref<50x128xf32, #tpu.memory_space<vmem>>)
      %add3A_812 = arith.addi %mul3A_2, %add3A_805 : i32
      %dma_start3A_813 = arith.constant 0 : i32
      %dma_start3A_814 = arith.constant 0 : i32
      %dma_start3A_815 = tpu.memref_slice %arg4[%add3A_812, %dma_start3A_813, %dma_start3A_814] : memref<4096x50x128xf32, #tpu.memory_space<hbm>> -> memref<1x50x128xf32, #tpu.memory_space<hbm>>
      %dma_start3A_816 = tpu.memref_squeeze %dma_start3A_815 : memref<1x50x128xf32, #tpu.memory_space<hbm>> -> memref<50x128xf32, #tpu.memory_space<hbm>>
      %dma_start3A_817 = arith.constant 0 : i32
      %dma_start3A_818 = arith.constant 0 : i32
      %dma_start3A_819 = tpu.memref_slice %arg4[%add3A_812, %dma_start3A_817, %dma_start3A_818] : memref<4096x50x128xf32, #tpu.memory_space<hbm>> -> memref<1x50x128xf32, #tpu.memory_space<hbm>>
      %dma_start3A_820 = tpu.memref_squeeze %dma_start3A_819 : memref<1x50x128xf32, #tpu.memory_space<hbm>> -> memref<50x128xf32, #tpu.memory_space<hbm>>
      tpu.enqueue_dma source(%arg9 : memref<50x128xf32, #tpu.memory_space<vmem>>) target(%dma_start3A_820 : memref<50x128xf32, #tpu.memory_space<hbm>>) target_semaphore(%arg21 : memref<!tpu.dma_semaphore, #tpu.memory_space<semaphore_mem>>)
      %add3A_821 = arith.constant 8 : i32
      %add3A_822 = arith.addi %add3A_805, %add3A_821 : i32
      %sub3A_823 = arith.constant 12 : i32
      %sub3A_824 = arith.subi %add3A_822, %sub3A_823 : i32
      %add3A_825 = arith.addi %mul3A_2, %sub3A_824 : i32
      %dma_wait3A_826 = arith.constant 0 : i32
      %dma_wait3A_827 = arith.constant 0 : i32
      %dma_wait3A_828 = tpu.memref_slice %arg4[%add3A_825, %dma_wait3A_826, %dma_wait3A_827] : memref<4096x50x128xf32, #tpu.memory_space<hbm>> -> memref<1x50x128xf32, #tpu.memory_space<hbm>>
      %dma_wait3A_829 = tpu.memref_squeeze %dma_wait3A_828 : memref<1x50x128xf32, #tpu.memory_space<hbm>> -> memref<50x128xf32, #tpu.memory_space<hbm>>
      %dma_wait3A_830 = arith.constant 0 : i32
      %dma_wait3A_831 = arith.constant 0 : i32
      %dma_wait3A_832 = tpu.memref_slice %arg4[%add3A_825, %dma_wait3A_830, %dma_wait3A_831] : memref<4096x50x128xf32, #tpu.memory_space<hbm>> -> memref<1x50x128xf32, #tpu.memory_space<hbm>>
      %dma_wait3A_833 = tpu.memref_squeeze %dma_wait3A_832 : memref<1x50x128xf32, #tpu.memory_space<hbm>> -> memref<50x128xf32, #tpu.memory_space<hbm>>
      tpu.wait_dma2 semaphore(%arg29 : memref<!tpu.dma_semaphore, #tpu.memory_space<semaphore_mem>>) src(%arg17 : memref<50x128xf32, #tpu.memory_space<vmem>>) dst(%dma_wait3A_833 : memref<50x128xf32, #tpu.memory_space<hbm>>)
      %add3A_834 = arith.constant 8 : i32
      %add3A_835 = arith.addi %add3A_805, %add3A_834 : i32
      %dma_start3A_836 = arith.constant 0 : i32
      %dma_start3A_837 = tpu.memref_slice %arg5[%add3A_835, %dma_start3A_836] : memref<128x50xi32, #tpu.memory_space<vmem>> -> memref<1x50xi32, #tpu.memory_space<vmem>>
      %dma_start3A_838 = tpu.memref_squeeze %dma_start3A_837 : memref<1x50xi32, #tpu.memory_space<vmem>> -> memref<50xi32, #tpu.memory_space<vmem>>
      %dma_start3A_839 = arith.constant 0 : i32
      %dma_start3A_840 = arith.constant 0 : i32
      %dma_start3A_841 = tpu.memref_slice %arg2[%dma_start3A_839, %dma_start3A_840] : memref<100002x128xf32, #tpu.memory_space<hbm>> -> memref<100002x128xf32, #tpu.memory_space<hbm>>
      tpu.enqueue_indirect_dma source(%dma_start3A_841 : memref<100002x128xf32, #tpu.memory_space<hbm>>) target(%arg17 : memref<50x128xf32, #tpu.memory_space<vmem>>) offsets(%dma_start3A_838 : memref<50xi32, #tpu.memory_space<vmem>>) semaphore(%arg29 : memref<!tpu.dma_semaphore, #tpu.memory_space<semaphore_mem>>)
      %add3A_842 = arith.constant 4 : i32
      %add3A_843 = arith.addi %add3A_690, %add3A_842 : i32
      %dma_wait3A_844 = arith.constant 0 : i32
      %dma_wait3A_845 = tpu.memref_slice %arg5[%add3A_843, %dma_wait3A_844] : memref<128x50xi32, #tpu.memory_space<vmem>> -> memref<1x50xi32, #tpu.memory_space<vmem>>
      %dma_wait3A_846 = tpu.memref_squeeze %dma_wait3A_845 : memref<1x50xi32, #tpu.memory_space<vmem>> -> memref<50xi32, #tpu.memory_space<vmem>>
      %dma_wait3A_847 = arith.constant 0 : i32
      %dma_wait3A_848 = arith.constant 0 : i32
      %dma_wait3A_849 = tpu.memref_slice %arg2[%dma_wait3A_847, %dma_wait3A_848] : memref<100002x128xf32, #tpu.memory_space<hbm>> -> memref<100002x128xf32, #tpu.memory_space<hbm>>
      tpu.wait_indirect_dma semaphore(%arg22 : memref<!tpu.dma_semaphore, #tpu.memory_space<semaphore_mem>>) src(%dma_wait3A_849 : memref<100002x128xf32, #tpu.memory_space<hbm>>) dst(%arg10 : memref<50x128xf32, #tpu.memory_space<vmem>>)
      %add3A_850 = arith.addi %mul3A_2, %add3A_843 : i32
      %dma_start3A_851 = arith.constant 0 : i32
      %dma_start3A_852 = arith.constant 0 : i32
      %dma_start3A_853 = tpu.memref_slice %arg4[%add3A_850, %dma_start3A_851, %dma_start3A_852] : memref<4096x50x128xf32, #tpu.memory_space<hbm>> -> memref<1x50x128xf32, #tpu.memory_space<hbm>>
      %dma_start3A_854 = tpu.memref_squeeze %dma_start3A_853 : memref<1x50x128xf32, #tpu.memory_space<hbm>> -> memref<50x128xf32, #tpu.memory_space<hbm>>
      %dma_start3A_855 = arith.constant 0 : i32
      %dma_start3A_856 = arith.constant 0 : i32
      %dma_start3A_857 = tpu.memref_slice %arg4[%add3A_850, %dma_start3A_855, %dma_start3A_856] : memref<4096x50x128xf32, #tpu.memory_space<hbm>> -> memref<1x50x128xf32, #tpu.memory_space<hbm>>
      %dma_start3A_858 = tpu.memref_squeeze %dma_start3A_857 : memref<1x50x128xf32, #tpu.memory_space<hbm>> -> memref<50x128xf32, #tpu.memory_space<hbm>>
      tpu.enqueue_dma source(%arg10 : memref<50x128xf32, #tpu.memory_space<vmem>>) target(%dma_start3A_858 : memref<50x128xf32, #tpu.memory_space<hbm>>) target_semaphore(%arg22 : memref<!tpu.dma_semaphore, #tpu.memory_space<semaphore_mem>>)
      %add3A_859 = arith.constant 8 : i32
      %add3A_860 = arith.addi %add3A_843, %add3A_859 : i32
      %sub3A_861 = arith.constant 12 : i32
      %sub3A_862 = arith.subi %add3A_860, %sub3A_861 : i32
      %add3A_863 = arith.addi %mul3A_2, %sub3A_862 : i32
      %dma_wait3A_864 = arith.constant 0 : i32
      %dma_wait3A_865 = arith.constant 0 : i32
      %dma_wait3A_866 = tpu.memref_slice %arg4[%add3A_863, %dma_wait3A_864, %dma_wait3A_865] : memref<4096x50x128xf32, #tpu.memory_space<hbm>> -> memref<1x50x128xf32, #tpu.memory_space<hbm>>
      %dma_wait3A_867 = tpu.memref_squeeze %dma_wait3A_866 : memref<1x50x128xf32, #tpu.memory_space<hbm>> -> memref<50x128xf32, #tpu.memory_space<hbm>>
      %dma_wait3A_868 = arith.constant 0 : i32
      %dma_wait3A_869 = arith.constant 0 : i32
      %dma_wait3A_870 = tpu.memref_slice %arg4[%add3A_863, %dma_wait3A_868, %dma_wait3A_869] : memref<4096x50x128xf32, #tpu.memory_space<hbm>> -> memref<1x50x128xf32, #tpu.memory_space<hbm>>
      %dma_wait3A_871 = tpu.memref_squeeze %dma_wait3A_870 : memref<1x50x128xf32, #tpu.memory_space<hbm>> -> memref<50x128xf32, #tpu.memory_space<hbm>>
      tpu.wait_dma2 semaphore(%arg18 : memref<!tpu.dma_semaphore, #tpu.memory_space<semaphore_mem>>) src(%arg6 : memref<50x128xf32, #tpu.memory_space<vmem>>) dst(%dma_wait3A_871 : memref<50x128xf32, #tpu.memory_space<hbm>>)
      %add3A_872 = arith.constant 8 : i32
      %add3A_873 = arith.addi %add3A_843, %add3A_872 : i32
      %dma_start3A_874 = arith.constant 0 : i32
      %dma_start3A_875 = tpu.memref_slice %arg5[%add3A_873, %dma_start3A_874] : memref<128x50xi32, #tpu.memory_space<vmem>> -> memref<1x50xi32, #tpu.memory_space<vmem>>
      %dma_start3A_876 = tpu.memref_squeeze %dma_start3A_875 : memref<1x50xi32, #tpu.memory_space<vmem>> -> memref<50xi32, #tpu.memory_space<vmem>>
      %dma_start3A_877 = arith.constant 0 : i32
      %dma_start3A_878 = arith.constant 0 : i32
      %dma_start3A_879 = tpu.memref_slice %arg2[%dma_start3A_877, %dma_start3A_878] : memref<100002x128xf32, #tpu.memory_space<hbm>> -> memref<100002x128xf32, #tpu.memory_space<hbm>>
      tpu.enqueue_indirect_dma source(%dma_start3A_879 : memref<100002x128xf32, #tpu.memory_space<hbm>>) target(%arg6 : memref<50x128xf32, #tpu.memory_space<vmem>>) offsets(%dma_start3A_876 : memref<50xi32, #tpu.memory_space<vmem>>) semaphore(%arg18 : memref<!tpu.dma_semaphore, #tpu.memory_space<semaphore_mem>>)
      %add3A_880 = arith.constant 5 : i32
      %add3A_881 = arith.addi %add3A_690, %add3A_880 : i32
      %dma_wait3A_882 = arith.constant 0 : i32
      %dma_wait3A_883 = tpu.memref_slice %arg5[%add3A_881, %dma_wait3A_882] : memref<128x50xi32, #tpu.memory_space<vmem>> -> memref<1x50xi32, #tpu.memory_space<vmem>>
      %dma_wait3A_884 = tpu.memref_squeeze %dma_wait3A_883 : memref<1x50xi32, #tpu.memory_space<vmem>> -> memref<50xi32, #tpu.memory_space<vmem>>
      %dma_wait3A_885 = arith.constant 0 : i32
      %dma_wait3A_886 = arith.constant 0 : i32
      %dma_wait3A_887 = tpu.memref_slice %arg2[%dma_wait3A_885, %dma_wait3A_886] : memref<100002x128xf32, #tpu.memory_space<hbm>> -> memref<100002x128xf32, #tpu.memory_space<hbm>>
      tpu.wait_indirect_dma semaphore(%arg23 : memref<!tpu.dma_semaphore, #tpu.memory_space<semaphore_mem>>) src(%dma_wait3A_887 : memref<100002x128xf32, #tpu.memory_space<hbm>>) dst(%arg11 : memref<50x128xf32, #tpu.memory_space<vmem>>)
      %add3A_888 = arith.addi %mul3A_2, %add3A_881 : i32
      %dma_start3A_889 = arith.constant 0 : i32
      %dma_start3A_890 = arith.constant 0 : i32
      %dma_start3A_891 = tpu.memref_slice %arg4[%add3A_888, %dma_start3A_889, %dma_start3A_890] : memref<4096x50x128xf32, #tpu.memory_space<hbm>> -> memref<1x50x128xf32, #tpu.memory_space<hbm>>
      %dma_start3A_892 = tpu.memref_squeeze %dma_start3A_891 : memref<1x50x128xf32, #tpu.memory_space<hbm>> -> memref<50x128xf32, #tpu.memory_space<hbm>>
      %dma_start3A_893 = arith.constant 0 : i32
      %dma_start3A_894 = arith.constant 0 : i32
      %dma_start3A_895 = tpu.memref_slice %arg4[%add3A_888, %dma_start3A_893, %dma_start3A_894] : memref<4096x50x128xf32, #tpu.memory_space<hbm>> -> memref<1x50x128xf32, #tpu.memory_space<hbm>>
      %dma_start3A_896 = tpu.memref_squeeze %dma_start3A_895 : memref<1x50x128xf32, #tpu.memory_space<hbm>> -> memref<50x128xf32, #tpu.memory_space<hbm>>
      tpu.enqueue_dma source(%arg11 : memref<50x128xf32, #tpu.memory_space<vmem>>) target(%dma_start3A_896 : memref<50x128xf32, #tpu.memory_space<hbm>>) target_semaphore(%arg23 : memref<!tpu.dma_semaphore, #tpu.memory_space<semaphore_mem>>)
      %add3A_897 = arith.constant 8 : i32
      %add3A_898 = arith.addi %add3A_881, %add3A_897 : i32
      %sub3A_899 = arith.constant 12 : i32
      %sub3A_900 = arith.subi %add3A_898, %sub3A_899 : i32
      %add3A_901 = arith.addi %mul3A_2, %sub3A_900 : i32
      %dma_wait3A_902 = arith.constant 0 : i32
      %dma_wait3A_903 = arith.constant 0 : i32
      %dma_wait3A_904 = tpu.memref_slice %arg4[%add3A_901, %dma_wait3A_902, %dma_wait3A_903] : memref<4096x50x128xf32, #tpu.memory_space<hbm>> -> memref<1x50x128xf32, #tpu.memory_space<hbm>>
      %dma_wait3A_905 = tpu.memref_squeeze %dma_wait3A_904 : memref<1x50x128xf32, #tpu.memory_space<hbm>> -> memref<50x128xf32, #tpu.memory_space<hbm>>
      %dma_wait3A_906 = arith.constant 0 : i32
      %dma_wait3A_907 = arith.constant 0 : i32
      %dma_wait3A_908 = tpu.memref_slice %arg4[%add3A_901, %dma_wait3A_906, %dma_wait3A_907] : memref<4096x50x128xf32, #tpu.memory_space<hbm>> -> memref<1x50x128xf32, #tpu.memory_space<hbm>>
      %dma_wait3A_909 = tpu.memref_squeeze %dma_wait3A_908 : memref<1x50x128xf32, #tpu.memory_space<hbm>> -> memref<50x128xf32, #tpu.memory_space<hbm>>
      tpu.wait_dma2 semaphore(%arg19 : memref<!tpu.dma_semaphore, #tpu.memory_space<semaphore_mem>>) src(%arg7 : memref<50x128xf32, #tpu.memory_space<vmem>>) dst(%dma_wait3A_909 : memref<50x128xf32, #tpu.memory_space<hbm>>)
      %add3A_910 = arith.constant 8 : i32
      %add3A_911 = arith.addi %add3A_881, %add3A_910 : i32
      %dma_start3A_912 = arith.constant 0 : i32
      %dma_start3A_913 = tpu.memref_slice %arg5[%add3A_911, %dma_start3A_912] : memref<128x50xi32, #tpu.memory_space<vmem>> -> memref<1x50xi32, #tpu.memory_space<vmem>>
      %dma_start3A_914 = tpu.memref_squeeze %dma_start3A_913 : memref<1x50xi32, #tpu.memory_space<vmem>> -> memref<50xi32, #tpu.memory_space<vmem>>
      %dma_start3A_915 = arith.constant 0 : i32
      %dma_start3A_916 = arith.constant 0 : i32
      %dma_start3A_917 = tpu.memref_slice %arg2[%dma_start3A_915, %dma_start3A_916] : memref<100002x128xf32, #tpu.memory_space<hbm>> -> memref<100002x128xf32, #tpu.memory_space<hbm>>
      tpu.enqueue_indirect_dma source(%dma_start3A_917 : memref<100002x128xf32, #tpu.memory_space<hbm>>) target(%arg7 : memref<50x128xf32, #tpu.memory_space<vmem>>) offsets(%dma_start3A_914 : memref<50xi32, #tpu.memory_space<vmem>>) semaphore(%arg19 : memref<!tpu.dma_semaphore, #tpu.memory_space<semaphore_mem>>)
      %add3A_918 = arith.constant 6 : i32
      %add3A_919 = arith.addi %add3A_690, %add3A_918 : i32
      %dma_wait3A_920 = arith.constant 0 : i32
      %dma_wait3A_921 = tpu.memref_slice %arg5[%add3A_919, %dma_wait3A_920] : memref<128x50xi32, #tpu.memory_space<vmem>> -> memref<1x50xi32, #tpu.memory_space<vmem>>
      %dma_wait3A_922 = tpu.memref_squeeze %dma_wait3A_921 : memref<1x50xi32, #tpu.memory_space<vmem>> -> memref<50xi32, #tpu.memory_space<vmem>>
      %dma_wait3A_923 = arith.constant 0 : i32
      %dma_wait3A_924 = arith.constant 0 : i32
      %dma_wait3A_925 = tpu.memref_slice %arg2[%dma_wait3A_923, %dma_wait3A_924] : memref<100002x128xf32, #tpu.memory_space<hbm>> -> memref<100002x128xf32, #tpu.memory_space<hbm>>
      tpu.wait_indirect_dma semaphore(%arg24 : memref<!tpu.dma_semaphore, #tpu.memory_space<semaphore_mem>>) src(%dma_wait3A_925 : memref<100002x128xf32, #tpu.memory_space<hbm>>) dst(%arg12 : memref<50x128xf32, #tpu.memory_space<vmem>>)
      %add3A_926 = arith.addi %mul3A_2, %add3A_919 : i32
      %dma_start3A_927 = arith.constant 0 : i32
      %dma_start3A_928 = arith.constant 0 : i32
      %dma_start3A_929 = tpu.memref_slice %arg4[%add3A_926, %dma_start3A_927, %dma_start3A_928] : memref<4096x50x128xf32, #tpu.memory_space<hbm>> -> memref<1x50x128xf32, #tpu.memory_space<hbm>>
      %dma_start3A_930 = tpu.memref_squeeze %dma_start3A_929 : memref<1x50x128xf32, #tpu.memory_space<hbm>> -> memref<50x128xf32, #tpu.memory_space<hbm>>
      %dma_start3A_931 = arith.constant 0 : i32
      %dma_start3A_932 = arith.constant 0 : i32
      %dma_start3A_933 = tpu.memref_slice %arg4[%add3A_926, %dma_start3A_931, %dma_start3A_932] : memref<4096x50x128xf32, #tpu.memory_space<hbm>> -> memref<1x50x128xf32, #tpu.memory_space<hbm>>
      %dma_start3A_934 = tpu.memref_squeeze %dma_start3A_933 : memref<1x50x128xf32, #tpu.memory_space<hbm>> -> memref<50x128xf32, #tpu.memory_space<hbm>>
      tpu.enqueue_dma source(%arg12 : memref<50x128xf32, #tpu.memory_space<vmem>>) target(%dma_start3A_934 : memref<50x128xf32, #tpu.memory_space<hbm>>) target_semaphore(%arg24 : memref<!tpu.dma_semaphore, #tpu.memory_space<semaphore_mem>>)
      %add3A_935 = arith.constant 8 : i32
      %add3A_936 = arith.addi %add3A_919, %add3A_935 : i32
      %sub3A_937 = arith.constant 12 : i32
      %sub3A_938 = arith.subi %add3A_936, %sub3A_937 : i32
      %add3A_939 = arith.addi %mul3A_2, %sub3A_938 : i32
      %dma_wait3A_940 = arith.constant 0 : i32
      %dma_wait3A_941 = arith.constant 0 : i32
      %dma_wait3A_942 = tpu.memref_slice %arg4[%add3A_939, %dma_wait3A_940, %dma_wait3A_941] : memref<4096x50x128xf32, #tpu.memory_space<hbm>> -> memref<1x50x128xf32, #tpu.memory_space<hbm>>
      %dma_wait3A_943 = tpu.memref_squeeze %dma_wait3A_942 : memref<1x50x128xf32, #tpu.memory_space<hbm>> -> memref<50x128xf32, #tpu.memory_space<hbm>>
      %dma_wait3A_944 = arith.constant 0 : i32
      %dma_wait3A_945 = arith.constant 0 : i32
      %dma_wait3A_946 = tpu.memref_slice %arg4[%add3A_939, %dma_wait3A_944, %dma_wait3A_945] : memref<4096x50x128xf32, #tpu.memory_space<hbm>> -> memref<1x50x128xf32, #tpu.memory_space<hbm>>
      %dma_wait3A_947 = tpu.memref_squeeze %dma_wait3A_946 : memref<1x50x128xf32, #tpu.memory_space<hbm>> -> memref<50x128xf32, #tpu.memory_space<hbm>>
      tpu.wait_dma2 semaphore(%arg20 : memref<!tpu.dma_semaphore, #tpu.memory_space<semaphore_mem>>) src(%arg8 : memref<50x128xf32, #tpu.memory_space<vmem>>) dst(%dma_wait3A_947 : memref<50x128xf32, #tpu.memory_space<hbm>>)
      %add3A_948 = arith.constant 8 : i32
      %add3A_949 = arith.addi %add3A_919, %add3A_948 : i32
      %dma_start3A_950 = arith.constant 0 : i32
      %dma_start3A_951 = tpu.memref_slice %arg5[%add3A_949, %dma_start3A_950] : memref<128x50xi32, #tpu.memory_space<vmem>> -> memref<1x50xi32, #tpu.memory_space<vmem>>
      %dma_start3A_952 = tpu.memref_squeeze %dma_start3A_951 : memref<1x50xi32, #tpu.memory_space<vmem>> -> memref<50xi32, #tpu.memory_space<vmem>>
      %dma_start3A_953 = arith.constant 0 : i32
      %dma_start3A_954 = arith.constant 0 : i32
      %dma_start3A_955 = tpu.memref_slice %arg2[%dma_start3A_953, %dma_start3A_954] : memref<100002x128xf32, #tpu.memory_space<hbm>> -> memref<100002x128xf32, #tpu.memory_space<hbm>>
      tpu.enqueue_indirect_dma source(%dma_start3A_955 : memref<100002x128xf32, #tpu.memory_space<hbm>>) target(%arg8 : memref<50x128xf32, #tpu.memory_space<vmem>>) offsets(%dma_start3A_952 : memref<50xi32, #tpu.memory_space<vmem>>) semaphore(%arg20 : memref<!tpu.dma_semaphore, #tpu.memory_space<semaphore_mem>>)
      %add3A_956 = arith.constant 7 : i32
      %add3A_957 = arith.addi %add3A_690, %add3A_956 : i32
      %dma_wait3A_958 = arith.constant 0 : i32
      %dma_wait3A_959 = tpu.memref_slice %arg5[%add3A_957, %dma_wait3A_958] : memref<128x50xi32, #tpu.memory_space<vmem>> -> memref<1x50xi32, #tpu.memory_space<vmem>>
      %dma_wait3A_960 = tpu.memref_squeeze %dma_wait3A_959 : memref<1x50xi32, #tpu.memory_space<vmem>> -> memref<50xi32, #tpu.memory_space<vmem>>
      %dma_wait3A_961 = arith.constant 0 : i32
      %dma_wait3A_962 = arith.constant 0 : i32
      %dma_wait3A_963 = tpu.memref_slice %arg2[%dma_wait3A_961, %dma_wait3A_962] : memref<100002x128xf32, #tpu.memory_space<hbm>> -> memref<100002x128xf32, #tpu.memory_space<hbm>>
      tpu.wait_indirect_dma semaphore(%arg25 : memref<!tpu.dma_semaphore, #tpu.memory_space<semaphore_mem>>) src(%dma_wait3A_963 : memref<100002x128xf32, #tpu.memory_space<hbm>>) dst(%arg13 : memref<50x128xf32, #tpu.memory_space<vmem>>)
      %add3A_964 = arith.addi %mul3A_2, %add3A_957 : i32
      %dma_start3A_965 = arith.constant 0 : i32
      %dma_start3A_966 = arith.constant 0 : i32
      %dma_start3A_967 = tpu.memref_slice %arg4[%add3A_964, %dma_start3A_965, %dma_start3A_966] : memref<4096x50x128xf32, #tpu.memory_space<hbm>> -> memref<1x50x128xf32, #tpu.memory_space<hbm>>
      %dma_start3A_968 = tpu.memref_squeeze %dma_start3A_967 : memref<1x50x128xf32, #tpu.memory_space<hbm>> -> memref<50x128xf32, #tpu.memory_space<hbm>>
      %dma_start3A_969 = arith.constant 0 : i32
      %dma_start3A_970 = arith.constant 0 : i32
      %dma_start3A_971 = tpu.memref_slice %arg4[%add3A_964, %dma_start3A_969, %dma_start3A_970] : memref<4096x50x128xf32, #tpu.memory_space<hbm>> -> memref<1x50x128xf32, #tpu.memory_space<hbm>>
      %dma_start3A_972 = tpu.memref_squeeze %dma_start3A_971 : memref<1x50x128xf32, #tpu.memory_space<hbm>> -> memref<50x128xf32, #tpu.memory_space<hbm>>
      tpu.enqueue_dma source(%arg13 : memref<50x128xf32, #tpu.memory_space<vmem>>) target(%dma_start3A_972 : memref<50x128xf32, #tpu.memory_space<hbm>>) target_semaphore(%arg25 : memref<!tpu.dma_semaphore, #tpu.memory_space<semaphore_mem>>)
      %add3A_973 = arith.constant 8 : i32
      %add3A_974 = arith.addi %add3A_957, %add3A_973 : i32
      %sub3A_975 = arith.constant 12 : i32
      %sub3A_976 = arith.subi %add3A_974, %sub3A_975 : i32
      %add3A_977 = arith.addi %mul3A_2, %sub3A_976 : i32
      %dma_wait3A_978 = arith.constant 0 : i32
      %dma_wait3A_979 = arith.constant 0 : i32
      %dma_wait3A_980 = tpu.memref_slice %arg4[%add3A_977, %dma_wait3A_978, %dma_wait3A_979] : memref<4096x50x128xf32, #tpu.memory_space<hbm>> -> memref<1x50x128xf32, #tpu.memory_space<hbm>>
      %dma_wait3A_981 = tpu.memref_squeeze %dma_wait3A_980 : memref<1x50x128xf32, #tpu.memory_space<hbm>> -> memref<50x128xf32, #tpu.memory_space<hbm>>
      %dma_wait3A_982 = arith.constant 0 : i32
      %dma_wait3A_983 = arith.constant 0 : i32
      %dma_wait3A_984 = tpu.memref_slice %arg4[%add3A_977, %dma_wait3A_982, %dma_wait3A_983] : memref<4096x50x128xf32, #tpu.memory_space<hbm>> -> memref<1x50x128xf32, #tpu.memory_space<hbm>>
      %dma_wait3A_985 = tpu.memref_squeeze %dma_wait3A_984 : memref<1x50x128xf32, #tpu.memory_space<hbm>> -> memref<50x128xf32, #tpu.memory_space<hbm>>
      tpu.wait_dma2 semaphore(%arg21 : memref<!tpu.dma_semaphore, #tpu.memory_space<semaphore_mem>>) src(%arg9 : memref<50x128xf32, #tpu.memory_space<vmem>>) dst(%dma_wait3A_985 : memref<50x128xf32, #tpu.memory_space<hbm>>)
      %add3A_986 = arith.constant 8 : i32
      %add3A_987 = arith.addi %add3A_957, %add3A_986 : i32
      %dma_start3A_988 = arith.constant 0 : i32
      %dma_start3A_989 = tpu.memref_slice %arg5[%add3A_987, %dma_start3A_988] : memref<128x50xi32, #tpu.memory_space<vmem>> -> memref<1x50xi32, #tpu.memory_space<vmem>>
      %dma_start3A_990 = tpu.memref_squeeze %dma_start3A_989 : memref<1x50xi32, #tpu.memory_space<vmem>> -> memref<50xi32, #tpu.memory_space<vmem>>
      %dma_start3A_991 = arith.constant 0 : i32
      %dma_start3A_992 = arith.constant 0 : i32
      %dma_start3A_993 = tpu.memref_slice %arg2[%dma_start3A_991, %dma_start3A_992] : memref<100002x128xf32, #tpu.memory_space<hbm>> -> memref<100002x128xf32, #tpu.memory_space<hbm>>
      tpu.enqueue_indirect_dma source(%dma_start3A_993 : memref<100002x128xf32, #tpu.memory_space<hbm>>) target(%arg9 : memref<50x128xf32, #tpu.memory_space<vmem>>) offsets(%dma_start3A_990 : memref<50xi32, #tpu.memory_space<vmem>>) semaphore(%arg21 : memref<!tpu.dma_semaphore, #tpu.memory_space<semaphore_mem>>)
      %add3A_994 = arith.constant 8 : i32
      %add3A_995 = arith.addi %add3A_690, %add3A_994 : i32
      %dma_wait3A_996 = arith.constant 0 : i32
      %dma_wait3A_997 = tpu.memref_slice %arg5[%add3A_995, %dma_wait3A_996] : memref<128x50xi32, #tpu.memory_space<vmem>> -> memref<1x50xi32, #tpu.memory_space<vmem>>
      %dma_wait3A_998 = tpu.memref_squeeze %dma_wait3A_997 : memref<1x50xi32, #tpu.memory_space<vmem>> -> memref<50xi32, #tpu.memory_space<vmem>>
      %dma_wait3A_999 = arith.constant 0 : i32
      %dma_wait3A_1000 = arith.constant 0 : i32
      %dma_wait3A_1001 = tpu.memref_slice %arg2[%dma_wait3A_999, %dma_wait3A_1000] : memref<100002x128xf32, #tpu.memory_space<hbm>> -> memref<100002x128xf32, #tpu.memory_space<hbm>>
      tpu.wait_indirect_dma semaphore(%arg26 : memref<!tpu.dma_semaphore, #tpu.memory_space<semaphore_mem>>) src(%dma_wait3A_1001 : memref<100002x128xf32, #tpu.memory_space<hbm>>) dst(%arg14 : memref<50x128xf32, #tpu.memory_space<vmem>>)
      %add3A_1002 = arith.addi %mul3A_2, %add3A_995 : i32
      %dma_start3A_1003 = arith.constant 0 : i32
      %dma_start3A_1004 = arith.constant 0 : i32
      %dma_start3A_1005 = tpu.memref_slice %arg4[%add3A_1002, %dma_start3A_1003, %dma_start3A_1004] : memref<4096x50x128xf32, #tpu.memory_space<hbm>> -> memref<1x50x128xf32, #tpu.memory_space<hbm>>
      %dma_start3A_1006 = tpu.memref_squeeze %dma_start3A_1005 : memref<1x50x128xf32, #tpu.memory_space<hbm>> -> memref<50x128xf32, #tpu.memory_space<hbm>>
      %dma_start3A_1007 = arith.constant 0 : i32
      %dma_start3A_1008 = arith.constant 0 : i32
      %dma_start3A_1009 = tpu.memref_slice %arg4[%add3A_1002, %dma_start3A_1007, %dma_start3A_1008] : memref<4096x50x128xf32, #tpu.memory_space<hbm>> -> memref<1x50x128xf32, #tpu.memory_space<hbm>>
      %dma_start3A_1010 = tpu.memref_squeeze %dma_start3A_1009 : memref<1x50x128xf32, #tpu.memory_space<hbm>> -> memref<50x128xf32, #tpu.memory_space<hbm>>
      tpu.enqueue_dma source(%arg14 : memref<50x128xf32, #tpu.memory_space<vmem>>) target(%dma_start3A_1010 : memref<50x128xf32, #tpu.memory_space<hbm>>) target_semaphore(%arg26 : memref<!tpu.dma_semaphore, #tpu.memory_space<semaphore_mem>>)
      %add3A_1011 = arith.constant 8 : i32
      %add3A_1012 = arith.addi %add3A_995, %add3A_1011 : i32
      %sub3A_1013 = arith.constant 12 : i32
      %sub3A_1014 = arith.subi %add3A_1012, %sub3A_1013 : i32
      %add3A_1015 = arith.addi %mul3A_2, %sub3A_1014 : i32
      %dma_wait3A_1016 = arith.constant 0 : i32
      %dma_wait3A_1017 = arith.constant 0 : i32
      %dma_wait3A_1018 = tpu.memref_slice %arg4[%add3A_1015, %dma_wait3A_1016, %dma_wait3A_1017] : memref<4096x50x128xf32, #tpu.memory_space<hbm>> -> memref<1x50x128xf32, #tpu.memory_space<hbm>>
      %dma_wait3A_1019 = tpu.memref_squeeze %dma_wait3A_1018 : memref<1x50x128xf32, #tpu.memory_space<hbm>> -> memref<50x128xf32, #tpu.memory_space<hbm>>
      %dma_wait3A_1020 = arith.constant 0 : i32
      %dma_wait3A_1021 = arith.constant 0 : i32
      %dma_wait3A_1022 = tpu.memref_slice %arg4[%add3A_1015, %dma_wait3A_1020, %dma_wait3A_1021] : memref<4096x50x128xf32, #tpu.memory_space<hbm>> -> memref<1x50x128xf32, #tpu.memory_space<hbm>>
      %dma_wait3A_1023 = tpu.memref_squeeze %dma_wait3A_1022 : memref<1x50x128xf32, #tpu.memory_space<hbm>> -> memref<50x128xf32, #tpu.memory_space<hbm>>
      tpu.wait_dma2 semaphore(%arg22 : memref<!tpu.dma_semaphore, #tpu.memory_space<semaphore_mem>>) src(%arg10 : memref<50x128xf32, #tpu.memory_space<vmem>>) dst(%dma_wait3A_1023 : memref<50x128xf32, #tpu.memory_space<hbm>>)
      %add3A_1024 = arith.constant 8 : i32
      %add3A_1025 = arith.addi %add3A_995, %add3A_1024 : i32
      %dma_start3A_1026 = arith.constant 0 : i32
      %dma_start3A_1027 = tpu.memref_slice %arg5[%add3A_1025, %dma_start3A_1026] : memref<128x50xi32, #tpu.memory_space<vmem>> -> memref<1x50xi32, #tpu.memory_space<vmem>>
      %dma_start3A_1028 = tpu.memref_squeeze %dma_start3A_1027 : memref<1x50xi32, #tpu.memory_space<vmem>> -> memref<50xi32, #tpu.memory_space<vmem>>
      %dma_start3A_1029 = arith.constant 0 : i32
      %dma_start3A_1030 = arith.constant 0 : i32
      %dma_start3A_1031 = tpu.memref_slice %arg2[%dma_start3A_1029, %dma_start3A_1030] : memref<100002x128xf32, #tpu.memory_space<hbm>> -> memref<100002x128xf32, #tpu.memory_space<hbm>>
      tpu.enqueue_indirect_dma source(%dma_start3A_1031 : memref<100002x128xf32, #tpu.memory_space<hbm>>) target(%arg10 : memref<50x128xf32, #tpu.memory_space<vmem>>) offsets(%dma_start3A_1028 : memref<50xi32, #tpu.memory_space<vmem>>) semaphore(%arg22 : memref<!tpu.dma_semaphore, #tpu.memory_space<semaphore_mem>>)
      %add3A_1032 = arith.constant 9 : i32
      %add3A_1033 = arith.addi %add3A_690, %add3A_1032 : i32
      %dma_wait3A_1034 = arith.constant 0 : i32
      %dma_wait3A_1035 = tpu.memref_slice %arg5[%add3A_1033, %dma_wait3A_1034] : memref<128x50xi32, #tpu.memory_space<vmem>> -> memref<1x50xi32, #tpu.memory_space<vmem>>
      %dma_wait3A_1036 = tpu.memref_squeeze %dma_wait3A_1035 : memref<1x50xi32, #tpu.memory_space<vmem>> -> memref<50xi32, #tpu.memory_space<vmem>>
      %dma_wait3A_1037 = arith.constant 0 : i32
      %dma_wait3A_1038 = arith.constant 0 : i32
      %dma_wait3A_1039 = tpu.memref_slice %arg2[%dma_wait3A_1037, %dma_wait3A_1038] : memref<100002x128xf32, #tpu.memory_space<hbm>> -> memref<100002x128xf32, #tpu.memory_space<hbm>>
      tpu.wait_indirect_dma semaphore(%arg27 : memref<!tpu.dma_semaphore, #tpu.memory_space<semaphore_mem>>) src(%dma_wait3A_1039 : memref<100002x128xf32, #tpu.memory_space<hbm>>) dst(%arg15 : memref<50x128xf32, #tpu.memory_space<vmem>>)
      %add3A_1040 = arith.addi %mul3A_2, %add3A_1033 : i32
      %dma_start3A_1041 = arith.constant 0 : i32
      %dma_start3A_1042 = arith.constant 0 : i32
      %dma_start3A_1043 = tpu.memref_slice %arg4[%add3A_1040, %dma_start3A_1041, %dma_start3A_1042] : memref<4096x50x128xf32, #tpu.memory_space<hbm>> -> memref<1x50x128xf32, #tpu.memory_space<hbm>>
      %dma_start3A_1044 = tpu.memref_squeeze %dma_start3A_1043 : memref<1x50x128xf32, #tpu.memory_space<hbm>> -> memref<50x128xf32, #tpu.memory_space<hbm>>
      %dma_start3A_1045 = arith.constant 0 : i32
      %dma_start3A_1046 = arith.constant 0 : i32
      %dma_start3A_1047 = tpu.memref_slice %arg4[%add3A_1040, %dma_start3A_1045, %dma_start3A_1046] : memref<4096x50x128xf32, #tpu.memory_space<hbm>> -> memref<1x50x128xf32, #tpu.memory_space<hbm>>
      %dma_start3A_1048 = tpu.memref_squeeze %dma_start3A_1047 : memref<1x50x128xf32, #tpu.memory_space<hbm>> -> memref<50x128xf32, #tpu.memory_space<hbm>>
      tpu.enqueue_dma source(%arg15 : memref<50x128xf32, #tpu.memory_space<vmem>>) target(%dma_start3A_1048 : memref<50x128xf32, #tpu.memory_space<hbm>>) target_semaphore(%arg27 : memref<!tpu.dma_semaphore, #tpu.memory_space<semaphore_mem>>)
      %add3A_1049 = arith.constant 8 : i32
      %add3A_1050 = arith.addi %add3A_1033, %add3A_1049 : i32
      %sub3A_1051 = arith.constant 12 : i32
      %sub3A_1052 = arith.subi %add3A_1050, %sub3A_1051 : i32
      %add3A_1053 = arith.addi %mul3A_2, %sub3A_1052 : i32
      %dma_wait3A_1054 = arith.constant 0 : i32
      %dma_wait3A_1055 = arith.constant 0 : i32
      %dma_wait3A_1056 = tpu.memref_slice %arg4[%add3A_1053, %dma_wait3A_1054, %dma_wait3A_1055] : memref<4096x50x128xf32, #tpu.memory_space<hbm>> -> memref<1x50x128xf32, #tpu.memory_space<hbm>>
      %dma_wait3A_1057 = tpu.memref_squeeze %dma_wait3A_1056 : memref<1x50x128xf32, #tpu.memory_space<hbm>> -> memref<50x128xf32, #tpu.memory_space<hbm>>
      %dma_wait3A_1058 = arith.constant 0 : i32
      %dma_wait3A_1059 = arith.constant 0 : i32
      %dma_wait3A_1060 = tpu.memref_slice %arg4[%add3A_1053, %dma_wait3A_1058, %dma_wait3A_1059] : memref<4096x50x128xf32, #tpu.memory_space<hbm>> -> memref<1x50x128xf32, #tpu.memory_space<hbm>>
      %dma_wait3A_1061 = tpu.memref_squeeze %dma_wait3A_1060 : memref<1x50x128xf32, #tpu.memory_space<hbm>> -> memref<50x128xf32, #tpu.memory_space<hbm>>
      tpu.wait_dma2 semaphore(%arg23 : memref<!tpu.dma_semaphore, #tpu.memory_space<semaphore_mem>>) src(%arg11 : memref<50x128xf32, #tpu.memory_space<vmem>>) dst(%dma_wait3A_1061 : memref<50x128xf32, #tpu.memory_space<hbm>>)
      %add3A_1062 = arith.constant 8 : i32
      %add3A_1063 = arith.addi %add3A_1033, %add3A_1062 : i32
      %dma_start3A_1064 = arith.constant 0 : i32
      %dma_start3A_1065 = tpu.memref_slice %arg5[%add3A_1063, %dma_start3A_1064] : memref<128x50xi32, #tpu.memory_space<vmem>> -> memref<1x50xi32, #tpu.memory_space<vmem>>
      %dma_start3A_1066 = tpu.memref_squeeze %dma_start3A_1065 : memref<1x50xi32, #tpu.memory_space<vmem>> -> memref<50xi32, #tpu.memory_space<vmem>>
      %dma_start3A_1067 = arith.constant 0 : i32
      %dma_start3A_1068 = arith.constant 0 : i32
      %dma_start3A_1069 = tpu.memref_slice %arg2[%dma_start3A_1067, %dma_start3A_1068] : memref<100002x128xf32, #tpu.memory_space<hbm>> -> memref<100002x128xf32, #tpu.memory_space<hbm>>
      tpu.enqueue_indirect_dma source(%dma_start3A_1069 : memref<100002x128xf32, #tpu.memory_space<hbm>>) target(%arg11 : memref<50x128xf32, #tpu.memory_space<vmem>>) offsets(%dma_start3A_1066 : memref<50xi32, #tpu.memory_space<vmem>>) semaphore(%arg23 : memref<!tpu.dma_semaphore, #tpu.memory_space<semaphore_mem>>)
      %add3A_1070 = arith.constant 10 : i32
      %add3A_1071 = arith.addi %add3A_690, %add3A_1070 : i32
      %dma_wait3A_1072 = arith.constant 0 : i32
      %dma_wait3A_1073 = tpu.memref_slice %arg5[%add3A_1071, %dma_wait3A_1072] : memref<128x50xi32, #tpu.memory_space<vmem>> -> memref<1x50xi32, #tpu.memory_space<vmem>>
      %dma_wait3A_1074 = tpu.memref_squeeze %dma_wait3A_1073 : memref<1x50xi32, #tpu.memory_space<vmem>> -> memref<50xi32, #tpu.memory_space<vmem>>
      %dma_wait3A_1075 = arith.constant 0 : i32
      %dma_wait3A_1076 = arith.constant 0 : i32
      %dma_wait3A_1077 = tpu.memref_slice %arg2[%dma_wait3A_1075, %dma_wait3A_1076] : memref<100002x128xf32, #tpu.memory_space<hbm>> -> memref<100002x128xf32, #tpu.memory_space<hbm>>
      tpu.wait_indirect_dma semaphore(%arg28 : memref<!tpu.dma_semaphore, #tpu.memory_space<semaphore_mem>>) src(%dma_wait3A_1077 : memref<100002x128xf32, #tpu.memory_space<hbm>>) dst(%arg16 : memref<50x128xf32, #tpu.memory_space<vmem>>)
      %add3A_1078 = arith.addi %mul3A_2, %add3A_1071 : i32
      %dma_start3A_1079 = arith.constant 0 : i32
      %dma_start3A_1080 = arith.constant 0 : i32
      %dma_start3A_1081 = tpu.memref_slice %arg4[%add3A_1078, %dma_start3A_1079, %dma_start3A_1080] : memref<4096x50x128xf32, #tpu.memory_space<hbm>> -> memref<1x50x128xf32, #tpu.memory_space<hbm>>
      %dma_start3A_1082 = tpu.memref_squeeze %dma_start3A_1081 : memref<1x50x128xf32, #tpu.memory_space<hbm>> -> memref<50x128xf32, #tpu.memory_space<hbm>>
      %dma_start3A_1083 = arith.constant 0 : i32
      %dma_start3A_1084 = arith.constant 0 : i32
      %dma_start3A_1085 = tpu.memref_slice %arg4[%add3A_1078, %dma_start3A_1083, %dma_start3A_1084] : memref<4096x50x128xf32, #tpu.memory_space<hbm>> -> memref<1x50x128xf32, #tpu.memory_space<hbm>>
      %dma_start3A_1086 = tpu.memref_squeeze %dma_start3A_1085 : memref<1x50x128xf32, #tpu.memory_space<hbm>> -> memref<50x128xf32, #tpu.memory_space<hbm>>
      tpu.enqueue_dma source(%arg16 : memref<50x128xf32, #tpu.memory_space<vmem>>) target(%dma_start3A_1086 : memref<50x128xf32, #tpu.memory_space<hbm>>) target_semaphore(%arg28 : memref<!tpu.dma_semaphore, #tpu.memory_space<semaphore_mem>>)
      %add3A_1087 = arith.constant 8 : i32
      %add3A_1088 = arith.addi %add3A_1071, %add3A_1087 : i32
      %sub3A_1089 = arith.constant 12 : i32
      %sub3A_1090 = arith.subi %add3A_1088, %sub3A_1089 : i32
      %add3A_1091 = arith.addi %mul3A_2, %sub3A_1090 : i32
      %dma_wait3A_1092 = arith.constant 0 : i32
      %dma_wait3A_1093 = arith.constant 0 : i32
      %dma_wait3A_1094 = tpu.memref_slice %arg4[%add3A_1091, %dma_wait3A_1092, %dma_wait3A_1093] : memref<4096x50x128xf32, #tpu.memory_space<hbm>> -> memref<1x50x128xf32, #tpu.memory_space<hbm>>
      %dma_wait3A_1095 = tpu.memref_squeeze %dma_wait3A_1094 : memref<1x50x128xf32, #tpu.memory_space<hbm>> -> memref<50x128xf32, #tpu.memory_space<hbm>>
      %dma_wait3A_1096 = arith.constant 0 : i32
      %dma_wait3A_1097 = arith.constant 0 : i32
      %dma_wait3A_1098 = tpu.memref_slice %arg4[%add3A_1091, %dma_wait3A_1096, %dma_wait3A_1097] : memref<4096x50x128xf32, #tpu.memory_space<hbm>> -> memref<1x50x128xf32, #tpu.memory_space<hbm>>
      %dma_wait3A_1099 = tpu.memref_squeeze %dma_wait3A_1098 : memref<1x50x128xf32, #tpu.memory_space<hbm>> -> memref<50x128xf32, #tpu.memory_space<hbm>>
      tpu.wait_dma2 semaphore(%arg24 : memref<!tpu.dma_semaphore, #tpu.memory_space<semaphore_mem>>) src(%arg12 : memref<50x128xf32, #tpu.memory_space<vmem>>) dst(%dma_wait3A_1099 : memref<50x128xf32, #tpu.memory_space<hbm>>)
      %add3A_1100 = arith.constant 8 : i32
      %add3A_1101 = arith.addi %add3A_1071, %add3A_1100 : i32
      %dma_start3A_1102 = arith.constant 0 : i32
      %dma_start3A_1103 = tpu.memref_slice %arg5[%add3A_1101, %dma_start3A_1102] : memref<128x50xi32, #tpu.memory_space<vmem>> -> memref<1x50xi32, #tpu.memory_space<vmem>>
      %dma_start3A_1104 = tpu.memref_squeeze %dma_start3A_1103 : memref<1x50xi32, #tpu.memory_space<vmem>> -> memref<50xi32, #tpu.memory_space<vmem>>
      %dma_start3A_1105 = arith.constant 0 : i32
      %dma_start3A_1106 = arith.constant 0 : i32
      %dma_start3A_1107 = tpu.memref_slice %arg2[%dma_start3A_1105, %dma_start3A_1106] : memref<100002x128xf32, #tpu.memory_space<hbm>> -> memref<100002x128xf32, #tpu.memory_space<hbm>>
      tpu.enqueue_indirect_dma source(%dma_start3A_1107 : memref<100002x128xf32, #tpu.memory_space<hbm>>) target(%arg12 : memref<50x128xf32, #tpu.memory_space<vmem>>) offsets(%dma_start3A_1104 : memref<50xi32, #tpu.memory_space<vmem>>) semaphore(%arg24 : memref<!tpu.dma_semaphore, #tpu.memory_space<semaphore_mem>>)
      %add3A_1108 = arith.constant 11 : i32
      %add3A_1109 = arith.addi %add3A_690, %add3A_1108 : i32
      %dma_wait3A_1110 = arith.constant 0 : i32
      %dma_wait3A_1111 = tpu.memref_slice %arg5[%add3A_1109, %dma_wait3A_1110] : memref<128x50xi32, #tpu.memory_space<vmem>> -> memref<1x50xi32, #tpu.memory_space<vmem>>
      %dma_wait3A_1112 = tpu.memref_squeeze %dma_wait3A_1111 : memref<1x50xi32, #tpu.memory_space<vmem>> -> memref<50xi32, #tpu.memory_space<vmem>>
      %dma_wait3A_1113 = arith.constant 0 : i32
      %dma_wait3A_1114 = arith.constant 0 : i32
      %dma_wait3A_1115 = tpu.memref_slice %arg2[%dma_wait3A_1113, %dma_wait3A_1114] : memref<100002x128xf32, #tpu.memory_space<hbm>> -> memref<100002x128xf32, #tpu.memory_space<hbm>>
      tpu.wait_indirect_dma semaphore(%arg29 : memref<!tpu.dma_semaphore, #tpu.memory_space<semaphore_mem>>) src(%dma_wait3A_1115 : memref<100002x128xf32, #tpu.memory_space<hbm>>) dst(%arg17 : memref<50x128xf32, #tpu.memory_space<vmem>>)
      %add3A_1116 = arith.addi %mul3A_2, %add3A_1109 : i32
      %dma_start3A_1117 = arith.constant 0 : i32
      %dma_start3A_1118 = arith.constant 0 : i32
      %dma_start3A_1119 = tpu.memref_slice %arg4[%add3A_1116, %dma_start3A_1117, %dma_start3A_1118] : memref<4096x50x128xf32, #tpu.memory_space<hbm>> -> memref<1x50x128xf32, #tpu.memory_space<hbm>>
      %dma_start3A_1120 = tpu.memref_squeeze %dma_start3A_1119 : memref<1x50x128xf32, #tpu.memory_space<hbm>> -> memref<50x128xf32, #tpu.memory_space<hbm>>
      %dma_start3A_1121 = arith.constant 0 : i32
      %dma_start3A_1122 = arith.constant 0 : i32
      %dma_start3A_1123 = tpu.memref_slice %arg4[%add3A_1116, %dma_start3A_1121, %dma_start3A_1122] : memref<4096x50x128xf32, #tpu.memory_space<hbm>> -> memref<1x50x128xf32, #tpu.memory_space<hbm>>
      %dma_start3A_1124 = tpu.memref_squeeze %dma_start3A_1123 : memref<1x50x128xf32, #tpu.memory_space<hbm>> -> memref<50x128xf32, #tpu.memory_space<hbm>>
      tpu.enqueue_dma source(%arg17 : memref<50x128xf32, #tpu.memory_space<vmem>>) target(%dma_start3A_1124 : memref<50x128xf32, #tpu.memory_space<hbm>>) target_semaphore(%arg29 : memref<!tpu.dma_semaphore, #tpu.memory_space<semaphore_mem>>)
      %add3A_1125 = arith.constant 8 : i32
      %add3A_1126 = arith.addi %add3A_1109, %add3A_1125 : i32
      %sub3A_1127 = arith.constant 12 : i32
      %sub3A_1128 = arith.subi %add3A_1126, %sub3A_1127 : i32
      %add3A_1129 = arith.addi %mul3A_2, %sub3A_1128 : i32
      %dma_wait3A_1130 = arith.constant 0 : i32
      %dma_wait3A_1131 = arith.constant 0 : i32
      %dma_wait3A_1132 = tpu.memref_slice %arg4[%add3A_1129, %dma_wait3A_1130, %dma_wait3A_1131] : memref<4096x50x128xf32, #tpu.memory_space<hbm>> -> memref<1x50x128xf32, #tpu.memory_space<hbm>>
      %dma_wait3A_1133 = tpu.memref_squeeze %dma_wait3A_1132 : memref<1x50x128xf32, #tpu.memory_space<hbm>> -> memref<50x128xf32, #tpu.memory_space<hbm>>
      %dma_wait3A_1134 = arith.constant 0 : i32
      %dma_wait3A_1135 = arith.constant 0 : i32
      %dma_wait3A_1136 = tpu.memref_slice %arg4[%add3A_1129, %dma_wait3A_1134, %dma_wait3A_1135] : memref<4096x50x128xf32, #tpu.memory_space<hbm>> -> memref<1x50x128xf32, #tpu.memory_space<hbm>>
      %dma_wait3A_1137 = tpu.memref_squeeze %dma_wait3A_1136 : memref<1x50x128xf32, #tpu.memory_space<hbm>> -> memref<50x128xf32, #tpu.memory_space<hbm>>
      tpu.wait_dma2 semaphore(%arg25 : memref<!tpu.dma_semaphore, #tpu.memory_space<semaphore_mem>>) src(%arg13 : memref<50x128xf32, #tpu.memory_space<vmem>>) dst(%dma_wait3A_1137 : memref<50x128xf32, #tpu.memory_space<hbm>>)
      %add3A_1138 = arith.constant 8 : i32
      %add3A_1139 = arith.addi %add3A_1109, %add3A_1138 : i32
      %dma_start3A_1140 = arith.constant 0 : i32
      %dma_start3A_1141 = tpu.memref_slice %arg5[%add3A_1139, %dma_start3A_1140] : memref<128x50xi32, #tpu.memory_space<vmem>> -> memref<1x50xi32, #tpu.memory_space<vmem>>
      %dma_start3A_1142 = tpu.memref_squeeze %dma_start3A_1141 : memref<1x50xi32, #tpu.memory_space<vmem>> -> memref<50xi32, #tpu.memory_space<vmem>>
      %dma_start3A_1143 = arith.constant 0 : i32
      %dma_start3A_1144 = arith.constant 0 : i32
      %dma_start3A_1145 = tpu.memref_slice %arg2[%dma_start3A_1143, %dma_start3A_1144] : memref<100002x128xf32, #tpu.memory_space<hbm>> -> memref<100002x128xf32, #tpu.memory_space<hbm>>
      tpu.enqueue_indirect_dma source(%dma_start3A_1145 : memref<100002x128xf32, #tpu.memory_space<hbm>>) target(%arg13 : memref<50x128xf32, #tpu.memory_space<vmem>>) offsets(%dma_start3A_1142 : memref<50xi32, #tpu.memory_space<vmem>>) semaphore(%arg25 : memref<!tpu.dma_semaphore, #tpu.memory_space<semaphore_mem>>)
    }
    %scan3A_429 = arith.constant 9 : i32
    %dma_wait3A_430 = arith.constant 120 : i32
    %dma_wait3A_431 = arith.constant 0 : i32
    %dma_wait3A_432 = tpu.memref_slice %arg5[%dma_wait3A_430, %dma_wait3A_431] : memref<128x50xi32, #tpu.memory_space<vmem>> -> memref<1x50xi32, #tpu.memory_space<vmem>>
    %dma_wait3A_433 = tpu.memref_squeeze %dma_wait3A_432 : memref<1x50xi32, #tpu.memory_space<vmem>> -> memref<50xi32, #tpu.memory_space<vmem>>
    %dma_wait3A_434 = arith.constant 0 : i32
    %dma_wait3A_435 = arith.constant 0 : i32
    %dma_wait3A_436 = tpu.memref_slice %arg2[%dma_wait3A_434, %dma_wait3A_435] : memref<100002x128xf32, #tpu.memory_space<hbm>> -> memref<100002x128xf32, #tpu.memory_space<hbm>>
    tpu.wait_indirect_dma semaphore(%arg18 : memref<!tpu.dma_semaphore, #tpu.memory_space<semaphore_mem>>) src(%dma_wait3A_436 : memref<100002x128xf32, #tpu.memory_space<hbm>>) dst(%arg6 : memref<50x128xf32, #tpu.memory_space<vmem>>)
    %add3A_437 = arith.constant 120 : i32
    %add3A_438 = arith.addi %mul3A_2, %add3A_437 : i32
    %dma_start3A_439 = arith.constant 0 : i32
    %dma_start3A_440 = arith.constant 0 : i32
    %dma_start3A_441 = tpu.memref_slice %arg4[%add3A_438, %dma_start3A_439, %dma_start3A_440] : memref<4096x50x128xf32, #tpu.memory_space<hbm>> -> memref<1x50x128xf32, #tpu.memory_space<hbm>>
    %dma_start3A_442 = tpu.memref_squeeze %dma_start3A_441 : memref<1x50x128xf32, #tpu.memory_space<hbm>> -> memref<50x128xf32, #tpu.memory_space<hbm>>
    %dma_start3A_443 = arith.constant 0 : i32
    %dma_start3A_444 = arith.constant 0 : i32
    %dma_start3A_445 = tpu.memref_slice %arg4[%add3A_438, %dma_start3A_443, %dma_start3A_444] : memref<4096x50x128xf32, #tpu.memory_space<hbm>> -> memref<1x50x128xf32, #tpu.memory_space<hbm>>
    %dma_start3A_446 = tpu.memref_squeeze %dma_start3A_445 : memref<1x50x128xf32, #tpu.memory_space<hbm>> -> memref<50x128xf32, #tpu.memory_space<hbm>>
    tpu.enqueue_dma source(%arg6 : memref<50x128xf32, #tpu.memory_space<vmem>>) target(%dma_start3A_446 : memref<50x128xf32, #tpu.memory_space<hbm>>) target_semaphore(%arg18 : memref<!tpu.dma_semaphore, #tpu.memory_space<semaphore_mem>>)
    %dma_wait3A_447 = arith.constant 121 : i32
    %dma_wait3A_448 = arith.constant 0 : i32
    %dma_wait3A_449 = tpu.memref_slice %arg5[%dma_wait3A_447, %dma_wait3A_448] : memref<128x50xi32, #tpu.memory_space<vmem>> -> memref<1x50xi32, #tpu.memory_space<vmem>>
    %dma_wait3A_450 = tpu.memref_squeeze %dma_wait3A_449 : memref<1x50xi32, #tpu.memory_space<vmem>> -> memref<50xi32, #tpu.memory_space<vmem>>
    %dma_wait3A_451 = arith.constant 0 : i32
    %dma_wait3A_452 = arith.constant 0 : i32
    %dma_wait3A_453 = tpu.memref_slice %arg2[%dma_wait3A_451, %dma_wait3A_452] : memref<100002x128xf32, #tpu.memory_space<hbm>> -> memref<100002x128xf32, #tpu.memory_space<hbm>>
    tpu.wait_indirect_dma semaphore(%arg19 : memref<!tpu.dma_semaphore, #tpu.memory_space<semaphore_mem>>) src(%dma_wait3A_453 : memref<100002x128xf32, #tpu.memory_space<hbm>>) dst(%arg7 : memref<50x128xf32, #tpu.memory_space<vmem>>)
    %add3A_454 = arith.constant 121 : i32
    %add3A_455 = arith.addi %mul3A_2, %add3A_454 : i32
    %dma_start3A_456 = arith.constant 0 : i32
    %dma_start3A_457 = arith.constant 0 : i32
    %dma_start3A_458 = tpu.memref_slice %arg4[%add3A_455, %dma_start3A_456, %dma_start3A_457] : memref<4096x50x128xf32, #tpu.memory_space<hbm>> -> memref<1x50x128xf32, #tpu.memory_space<hbm>>
    %dma_start3A_459 = tpu.memref_squeeze %dma_start3A_458 : memref<1x50x128xf32, #tpu.memory_space<hbm>> -> memref<50x128xf32, #tpu.memory_space<hbm>>
    %dma_start3A_460 = arith.constant 0 : i32
    %dma_start3A_461 = arith.constant 0 : i32
    %dma_start3A_462 = tpu.memref_slice %arg4[%add3A_455, %dma_start3A_460, %dma_start3A_461] : memref<4096x50x128xf32, #tpu.memory_space<hbm>> -> memref<1x50x128xf32, #tpu.memory_space<hbm>>
    %dma_start3A_463 = tpu.memref_squeeze %dma_start3A_462 : memref<1x50x128xf32, #tpu.memory_space<hbm>> -> memref<50x128xf32, #tpu.memory_space<hbm>>
    tpu.enqueue_dma source(%arg7 : memref<50x128xf32, #tpu.memory_space<vmem>>) target(%dma_start3A_463 : memref<50x128xf32, #tpu.memory_space<hbm>>) target_semaphore(%arg19 : memref<!tpu.dma_semaphore, #tpu.memory_space<semaphore_mem>>)
    %dma_wait3A_464 = arith.constant 122 : i32
    %dma_wait3A_465 = arith.constant 0 : i32
    %dma_wait3A_466 = tpu.memref_slice %arg5[%dma_wait3A_464, %dma_wait3A_465] : memref<128x50xi32, #tpu.memory_space<vmem>> -> memref<1x50xi32, #tpu.memory_space<vmem>>
    %dma_wait3A_467 = tpu.memref_squeeze %dma_wait3A_466 : memref<1x50xi32, #tpu.memory_space<vmem>> -> memref<50xi32, #tpu.memory_space<vmem>>
    %dma_wait3A_468 = arith.constant 0 : i32
    %dma_wait3A_469 = arith.constant 0 : i32
    %dma_wait3A_470 = tpu.memref_slice %arg2[%dma_wait3A_468, %dma_wait3A_469] : memref<100002x128xf32, #tpu.memory_space<hbm>> -> memref<100002x128xf32, #tpu.memory_space<hbm>>
    tpu.wait_indirect_dma semaphore(%arg20 : memref<!tpu.dma_semaphore, #tpu.memory_space<semaphore_mem>>) src(%dma_wait3A_470 : memref<100002x128xf32, #tpu.memory_space<hbm>>) dst(%arg8 : memref<50x128xf32, #tpu.memory_space<vmem>>)
    %add3A_471 = arith.constant 122 : i32
    %add3A_472 = arith.addi %mul3A_2, %add3A_471 : i32
    %dma_start3A_473 = arith.constant 0 : i32
    %dma_start3A_474 = arith.constant 0 : i32
    %dma_start3A_475 = tpu.memref_slice %arg4[%add3A_472, %dma_start3A_473, %dma_start3A_474] : memref<4096x50x128xf32, #tpu.memory_space<hbm>> -> memref<1x50x128xf32, #tpu.memory_space<hbm>>
    %dma_start3A_476 = tpu.memref_squeeze %dma_start3A_475 : memref<1x50x128xf32, #tpu.memory_space<hbm>> -> memref<50x128xf32, #tpu.memory_space<hbm>>
    %dma_start3A_477 = arith.constant 0 : i32
    %dma_start3A_478 = arith.constant 0 : i32
    %dma_start3A_479 = tpu.memref_slice %arg4[%add3A_472, %dma_start3A_477, %dma_start3A_478] : memref<4096x50x128xf32, #tpu.memory_space<hbm>> -> memref<1x50x128xf32, #tpu.memory_space<hbm>>
    %dma_start3A_480 = tpu.memref_squeeze %dma_start3A_479 : memref<1x50x128xf32, #tpu.memory_space<hbm>> -> memref<50x128xf32, #tpu.memory_space<hbm>>
    tpu.enqueue_dma source(%arg8 : memref<50x128xf32, #tpu.memory_space<vmem>>) target(%dma_start3A_480 : memref<50x128xf32, #tpu.memory_space<hbm>>) target_semaphore(%arg20 : memref<!tpu.dma_semaphore, #tpu.memory_space<semaphore_mem>>)
    %dma_wait3A_481 = arith.constant 123 : i32
    %dma_wait3A_482 = arith.constant 0 : i32
    %dma_wait3A_483 = tpu.memref_slice %arg5[%dma_wait3A_481, %dma_wait3A_482] : memref<128x50xi32, #tpu.memory_space<vmem>> -> memref<1x50xi32, #tpu.memory_space<vmem>>
    %dma_wait3A_484 = tpu.memref_squeeze %dma_wait3A_483 : memref<1x50xi32, #tpu.memory_space<vmem>> -> memref<50xi32, #tpu.memory_space<vmem>>
    %dma_wait3A_485 = arith.constant 0 : i32
    %dma_wait3A_486 = arith.constant 0 : i32
    %dma_wait3A_487 = tpu.memref_slice %arg2[%dma_wait3A_485, %dma_wait3A_486] : memref<100002x128xf32, #tpu.memory_space<hbm>> -> memref<100002x128xf32, #tpu.memory_space<hbm>>
    tpu.wait_indirect_dma semaphore(%arg21 : memref<!tpu.dma_semaphore, #tpu.memory_space<semaphore_mem>>) src(%dma_wait3A_487 : memref<100002x128xf32, #tpu.memory_space<hbm>>) dst(%arg9 : memref<50x128xf32, #tpu.memory_space<vmem>>)
    %add3A_488 = arith.constant 123 : i32
    %add3A_489 = arith.addi %mul3A_2, %add3A_488 : i32
    %dma_start3A_490 = arith.constant 0 : i32
    %dma_start3A_491 = arith.constant 0 : i32
    %dma_start3A_492 = tpu.memref_slice %arg4[%add3A_489, %dma_start3A_490, %dma_start3A_491] : memref<4096x50x128xf32, #tpu.memory_space<hbm>> -> memref<1x50x128xf32, #tpu.memory_space<hbm>>
    %dma_start3A_493 = tpu.memref_squeeze %dma_start3A_492 : memref<1x50x128xf32, #tpu.memory_space<hbm>> -> memref<50x128xf32, #tpu.memory_space<hbm>>
    %dma_start3A_494 = arith.constant 0 : i32
    %dma_start3A_495 = arith.constant 0 : i32
    %dma_start3A_496 = tpu.memref_slice %arg4[%add3A_489, %dma_start3A_494, %dma_start3A_495] : memref<4096x50x128xf32, #tpu.memory_space<hbm>> -> memref<1x50x128xf32, #tpu.memory_space<hbm>>
    %dma_start3A_497 = tpu.memref_squeeze %dma_start3A_496 : memref<1x50x128xf32, #tpu.memory_space<hbm>> -> memref<50x128xf32, #tpu.memory_space<hbm>>
    tpu.enqueue_dma source(%arg9 : memref<50x128xf32, #tpu.memory_space<vmem>>) target(%dma_start3A_497 : memref<50x128xf32, #tpu.memory_space<hbm>>) target_semaphore(%arg21 : memref<!tpu.dma_semaphore, #tpu.memory_space<semaphore_mem>>)
    %dma_wait3A_498 = arith.constant 124 : i32
    %dma_wait3A_499 = arith.constant 0 : i32
    %dma_wait3A_500 = tpu.memref_slice %arg5[%dma_wait3A_498, %dma_wait3A_499] : memref<128x50xi32, #tpu.memory_space<vmem>> -> memref<1x50xi32, #tpu.memory_space<vmem>>
    %dma_wait3A_501 = tpu.memref_squeeze %dma_wait3A_500 : memref<1x50xi32, #tpu.memory_space<vmem>> -> memref<50xi32, #tpu.memory_space<vmem>>
    %dma_wait3A_502 = arith.constant 0 : i32
    %dma_wait3A_503 = arith.constant 0 : i32
    %dma_wait3A_504 = tpu.memref_slice %arg2[%dma_wait3A_502, %dma_wait3A_503] : memref<100002x128xf32, #tpu.memory_space<hbm>> -> memref<100002x128xf32, #tpu.memory_space<hbm>>
    tpu.wait_indirect_dma semaphore(%arg22 : memref<!tpu.dma_semaphore, #tpu.memory_space<semaphore_mem>>) src(%dma_wait3A_504 : memref<100002x128xf32, #tpu.memory_space<hbm>>) dst(%arg10 : memref<50x128xf32, #tpu.memory_space<vmem>>)
    %add3A_505 = arith.constant 124 : i32
    %add3A_506 = arith.addi %mul3A_2, %add3A_505 : i32
    %dma_start3A_507 = arith.constant 0 : i32
    %dma_start3A_508 = arith.constant 0 : i32
    %dma_start3A_509 = tpu.memref_slice %arg4[%add3A_506, %dma_start3A_507, %dma_start3A_508] : memref<4096x50x128xf32, #tpu.memory_space<hbm>> -> memref<1x50x128xf32, #tpu.memory_space<hbm>>
    %dma_start3A_510 = tpu.memref_squeeze %dma_start3A_509 : memref<1x50x128xf32, #tpu.memory_space<hbm>> -> memref<50x128xf32, #tpu.memory_space<hbm>>
    %dma_start3A_511 = arith.constant 0 : i32
    %dma_start3A_512 = arith.constant 0 : i32
    %dma_start3A_513 = tpu.memref_slice %arg4[%add3A_506, %dma_start3A_511, %dma_start3A_512] : memref<4096x50x128xf32, #tpu.memory_space<hbm>> -> memref<1x50x128xf32, #tpu.memory_space<hbm>>
    %dma_start3A_514 = tpu.memref_squeeze %dma_start3A_513 : memref<1x50x128xf32, #tpu.memory_space<hbm>> -> memref<50x128xf32, #tpu.memory_space<hbm>>
    tpu.enqueue_dma source(%arg10 : memref<50x128xf32, #tpu.memory_space<vmem>>) target(%dma_start3A_514 : memref<50x128xf32, #tpu.memory_space<hbm>>) target_semaphore(%arg22 : memref<!tpu.dma_semaphore, #tpu.memory_space<semaphore_mem>>)
    %dma_wait3A_515 = arith.constant 125 : i32
    %dma_wait3A_516 = arith.constant 0 : i32
    %dma_wait3A_517 = tpu.memref_slice %arg5[%dma_wait3A_515, %dma_wait3A_516] : memref<128x50xi32, #tpu.memory_space<vmem>> -> memref<1x50xi32, #tpu.memory_space<vmem>>
    %dma_wait3A_518 = tpu.memref_squeeze %dma_wait3A_517 : memref<1x50xi32, #tpu.memory_space<vmem>> -> memref<50xi32, #tpu.memory_space<vmem>>
    %dma_wait3A_519 = arith.constant 0 : i32
    %dma_wait3A_520 = arith.constant 0 : i32
    %dma_wait3A_521 = tpu.memref_slice %arg2[%dma_wait3A_519, %dma_wait3A_520] : memref<100002x128xf32, #tpu.memory_space<hbm>> -> memref<100002x128xf32, #tpu.memory_space<hbm>>
    tpu.wait_indirect_dma semaphore(%arg23 : memref<!tpu.dma_semaphore, #tpu.memory_space<semaphore_mem>>) src(%dma_wait3A_521 : memref<100002x128xf32, #tpu.memory_space<hbm>>) dst(%arg11 : memref<50x128xf32, #tpu.memory_space<vmem>>)
    %add3A_522 = arith.constant 125 : i32
    %add3A_523 = arith.addi %mul3A_2, %add3A_522 : i32
    %dma_start3A_524 = arith.constant 0 : i32
    %dma_start3A_525 = arith.constant 0 : i32
    %dma_start3A_526 = tpu.memref_slice %arg4[%add3A_523, %dma_start3A_524, %dma_start3A_525] : memref<4096x50x128xf32, #tpu.memory_space<hbm>> -> memref<1x50x128xf32, #tpu.memory_space<hbm>>
    %dma_start3A_527 = tpu.memref_squeeze %dma_start3A_526 : memref<1x50x128xf32, #tpu.memory_space<hbm>> -> memref<50x128xf32, #tpu.memory_space<hbm>>
    %dma_start3A_528 = arith.constant 0 : i32
    %dma_start3A_529 = arith.constant 0 : i32
    %dma_start3A_530 = tpu.memref_slice %arg4[%add3A_523, %dma_start3A_528, %dma_start3A_529] : memref<4096x50x128xf32, #tpu.memory_space<hbm>> -> memref<1x50x128xf32, #tpu.memory_space<hbm>>
    %dma_start3A_531 = tpu.memref_squeeze %dma_start3A_530 : memref<1x50x128xf32, #tpu.memory_space<hbm>> -> memref<50x128xf32, #tpu.memory_space<hbm>>
    tpu.enqueue_dma source(%arg11 : memref<50x128xf32, #tpu.memory_space<vmem>>) target(%dma_start3A_531 : memref<50x128xf32, #tpu.memory_space<hbm>>) target_semaphore(%arg23 : memref<!tpu.dma_semaphore, #tpu.memory_space<semaphore_mem>>)
    %dma_wait3A_532 = arith.constant 126 : i32
    %dma_wait3A_533 = arith.constant 0 : i32
    %dma_wait3A_534 = tpu.memref_slice %arg5[%dma_wait3A_532, %dma_wait3A_533] : memref<128x50xi32, #tpu.memory_space<vmem>> -> memref<1x50xi32, #tpu.memory_space<vmem>>
    %dma_wait3A_535 = tpu.memref_squeeze %dma_wait3A_534 : memref<1x50xi32, #tpu.memory_space<vmem>> -> memref<50xi32, #tpu.memory_space<vmem>>
    %dma_wait3A_536 = arith.constant 0 : i32
    %dma_wait3A_537 = arith.constant 0 : i32
    %dma_wait3A_538 = tpu.memref_slice %arg2[%dma_wait3A_536, %dma_wait3A_537] : memref<100002x128xf32, #tpu.memory_space<hbm>> -> memref<100002x128xf32, #tpu.memory_space<hbm>>
    tpu.wait_indirect_dma semaphore(%arg24 : memref<!tpu.dma_semaphore, #tpu.memory_space<semaphore_mem>>) src(%dma_wait3A_538 : memref<100002x128xf32, #tpu.memory_space<hbm>>) dst(%arg12 : memref<50x128xf32, #tpu.memory_space<vmem>>)
    %add3A_539 = arith.constant 126 : i32
    %add3A_540 = arith.addi %mul3A_2, %add3A_539 : i32
    %dma_start3A_541 = arith.constant 0 : i32
    %dma_start3A_542 = arith.constant 0 : i32
    %dma_start3A_543 = tpu.memref_slice %arg4[%add3A_540, %dma_start3A_541, %dma_start3A_542] : memref<4096x50x128xf32, #tpu.memory_space<hbm>> -> memref<1x50x128xf32, #tpu.memory_space<hbm>>
    %dma_start3A_544 = tpu.memref_squeeze %dma_start3A_543 : memref<1x50x128xf32, #tpu.memory_space<hbm>> -> memref<50x128xf32, #tpu.memory_space<hbm>>
    %dma_start3A_545 = arith.constant 0 : i32
    %dma_start3A_546 = arith.constant 0 : i32
    %dma_start3A_547 = tpu.memref_slice %arg4[%add3A_540, %dma_start3A_545, %dma_start3A_546] : memref<4096x50x128xf32, #tpu.memory_space<hbm>> -> memref<1x50x128xf32, #tpu.memory_space<hbm>>
    %dma_start3A_548 = tpu.memref_squeeze %dma_start3A_547 : memref<1x50x128xf32, #tpu.memory_space<hbm>> -> memref<50x128xf32, #tpu.memory_space<hbm>>
    tpu.enqueue_dma source(%arg12 : memref<50x128xf32, #tpu.memory_space<vmem>>) target(%dma_start3A_548 : memref<50x128xf32, #tpu.memory_space<hbm>>) target_semaphore(%arg24 : memref<!tpu.dma_semaphore, #tpu.memory_space<semaphore_mem>>)
    %dma_wait3A_549 = arith.constant 127 : i32
    %dma_wait3A_550 = arith.constant 0 : i32
    %dma_wait3A_551 = tpu.memref_slice %arg5[%dma_wait3A_549, %dma_wait3A_550] : memref<128x50xi32, #tpu.memory_space<vmem>> -> memref<1x50xi32, #tpu.memory_space<vmem>>
    %dma_wait3A_552 = tpu.memref_squeeze %dma_wait3A_551 : memref<1x50xi32, #tpu.memory_space<vmem>> -> memref<50xi32, #tpu.memory_space<vmem>>
    %dma_wait3A_553 = arith.constant 0 : i32
    %dma_wait3A_554 = arith.constant 0 : i32
    %dma_wait3A_555 = tpu.memref_slice %arg2[%dma_wait3A_553, %dma_wait3A_554] : memref<100002x128xf32, #tpu.memory_space<hbm>> -> memref<100002x128xf32, #tpu.memory_space<hbm>>
    tpu.wait_indirect_dma semaphore(%arg25 : memref<!tpu.dma_semaphore, #tpu.memory_space<semaphore_mem>>) src(%dma_wait3A_555 : memref<100002x128xf32, #tpu.memory_space<hbm>>) dst(%arg13 : memref<50x128xf32, #tpu.memory_space<vmem>>)
    %add3A_556 = arith.constant 127 : i32
    %add3A_557 = arith.addi %mul3A_2, %add3A_556 : i32
    %dma_start3A_558 = arith.constant 0 : i32
    %dma_start3A_559 = arith.constant 0 : i32
    %dma_start3A_560 = tpu.memref_slice %arg4[%add3A_557, %dma_start3A_558, %dma_start3A_559] : memref<4096x50x128xf32, #tpu.memory_space<hbm>> -> memref<1x50x128xf32, #tpu.memory_space<hbm>>
    %dma_start3A_561 = tpu.memref_squeeze %dma_start3A_560 : memref<1x50x128xf32, #tpu.memory_space<hbm>> -> memref<50x128xf32, #tpu.memory_space<hbm>>
    %dma_start3A_562 = arith.constant 0 : i32
    %dma_start3A_563 = arith.constant 0 : i32
    %dma_start3A_564 = tpu.memref_slice %arg4[%add3A_557, %dma_start3A_562, %dma_start3A_563] : memref<4096x50x128xf32, #tpu.memory_space<hbm>> -> memref<1x50x128xf32, #tpu.memory_space<hbm>>
    %dma_start3A_565 = tpu.memref_squeeze %dma_start3A_564 : memref<1x50x128xf32, #tpu.memory_space<hbm>> -> memref<50x128xf32, #tpu.memory_space<hbm>>
    tpu.enqueue_dma source(%arg13 : memref<50x128xf32, #tpu.memory_space<vmem>>) target(%dma_start3A_565 : memref<50x128xf32, #tpu.memory_space<hbm>>) target_semaphore(%arg25 : memref<!tpu.dma_semaphore, #tpu.memory_space<semaphore_mem>>)
    %add3A_566 = arith.constant 116 : i32
    %add3A_567 = arith.addi %mul3A_2, %add3A_566 : i32
    %dma_wait3A_568 = arith.constant 0 : i32
    %dma_wait3A_569 = arith.constant 0 : i32
    %dma_wait3A_570 = tpu.memref_slice %arg4[%add3A_567, %dma_wait3A_568, %dma_wait3A_569] : memref<4096x50x128xf32, #tpu.memory_space<hbm>> -> memref<1x50x128xf32, #tpu.memory_space<hbm>>
    %dma_wait3A_571 = tpu.memref_squeeze %dma_wait3A_570 : memref<1x50x128xf32, #tpu.memory_space<hbm>> -> memref<50x128xf32, #tpu.memory_space<hbm>>
    %dma_wait3A_572 = arith.constant 0 : i32
    %dma_wait3A_573 = arith.constant 0 : i32
    %dma_wait3A_574 = tpu.memref_slice %arg4[%add3A_567, %dma_wait3A_572, %dma_wait3A_573] : memref<4096x50x128xf32, #tpu.memory_space<hbm>> -> memref<1x50x128xf32, #tpu.memory_space<hbm>>
    %dma_wait3A_575 = tpu.memref_squeeze %dma_wait3A_574 : memref<1x50x128xf32, #tpu.memory_space<hbm>> -> memref<50x128xf32, #tpu.memory_space<hbm>>
    tpu.wait_dma2 semaphore(%arg26 : memref<!tpu.dma_semaphore, #tpu.memory_space<semaphore_mem>>) src(%arg14 : memref<50x128xf32, #tpu.memory_space<vmem>>) dst(%dma_wait3A_575 : memref<50x128xf32, #tpu.memory_space<hbm>>)
    %add3A_576 = arith.constant 117 : i32
    %add3A_577 = arith.addi %mul3A_2, %add3A_576 : i32
    %dma_wait3A_578 = arith.constant 0 : i32
    %dma_wait3A_579 = arith.constant 0 : i32
    %dma_wait3A_580 = tpu.memref_slice %arg4[%add3A_577, %dma_wait3A_578, %dma_wait3A_579] : memref<4096x50x128xf32, #tpu.memory_space<hbm>> -> memref<1x50x128xf32, #tpu.memory_space<hbm>>
    %dma_wait3A_581 = tpu.memref_squeeze %dma_wait3A_580 : memref<1x50x128xf32, #tpu.memory_space<hbm>> -> memref<50x128xf32, #tpu.memory_space<hbm>>
    %dma_wait3A_582 = arith.constant 0 : i32
    %dma_wait3A_583 = arith.constant 0 : i32
    %dma_wait3A_584 = tpu.memref_slice %arg4[%add3A_577, %dma_wait3A_582, %dma_wait3A_583] : memref<4096x50x128xf32, #tpu.memory_space<hbm>> -> memref<1x50x128xf32, #tpu.memory_space<hbm>>
    %dma_wait3A_585 = tpu.memref_squeeze %dma_wait3A_584 : memref<1x50x128xf32, #tpu.memory_space<hbm>> -> memref<50x128xf32, #tpu.memory_space<hbm>>
    tpu.wait_dma2 semaphore(%arg27 : memref<!tpu.dma_semaphore, #tpu.memory_space<semaphore_mem>>) src(%arg15 : memref<50x128xf32, #tpu.memory_space<vmem>>) dst(%dma_wait3A_585 : memref<50x128xf32, #tpu.memory_space<hbm>>)
    %add3A_586 = arith.constant 118 : i32
    %add3A_587 = arith.addi %mul3A_2, %add3A_586 : i32
    %dma_wait3A_588 = arith.constant 0 : i32
    %dma_wait3A_589 = arith.constant 0 : i32
    %dma_wait3A_590 = tpu.memref_slice %arg4[%add3A_587, %dma_wait3A_588, %dma_wait3A_589] : memref<4096x50x128xf32, #tpu.memory_space<hbm>> -> memref<1x50x128xf32, #tpu.memory_space<hbm>>
    %dma_wait3A_591 = tpu.memref_squeeze %dma_wait3A_590 : memref<1x50x128xf32, #tpu.memory_space<hbm>> -> memref<50x128xf32, #tpu.memory_space<hbm>>
    %dma_wait3A_592 = arith.constant 0 : i32
    %dma_wait3A_593 = arith.constant 0 : i32
    %dma_wait3A_594 = tpu.memref_slice %arg4[%add3A_587, %dma_wait3A_592, %dma_wait3A_593] : memref<4096x50x128xf32, #tpu.memory_space<hbm>> -> memref<1x50x128xf32, #tpu.memory_space<hbm>>
    %dma_wait3A_595 = tpu.memref_squeeze %dma_wait3A_594 : memref<1x50x128xf32, #tpu.memory_space<hbm>> -> memref<50x128xf32, #tpu.memory_space<hbm>>
    tpu.wait_dma2 semaphore(%arg28 : memref<!tpu.dma_semaphore, #tpu.memory_space<semaphore_mem>>) src(%arg16 : memref<50x128xf32, #tpu.memory_space<vmem>>) dst(%dma_wait3A_595 : memref<50x128xf32, #tpu.memory_space<hbm>>)
    %add3A_596 = arith.constant 119 : i32
    %add3A_597 = arith.addi %mul3A_2, %add3A_596 : i32
    %dma_wait3A_598 = arith.constant 0 : i32
    %dma_wait3A_599 = arith.constant 0 : i32
    %dma_wait3A_600 = tpu.memref_slice %arg4[%add3A_597, %dma_wait3A_598, %dma_wait3A_599] : memref<4096x50x128xf32, #tpu.memory_space<hbm>> -> memref<1x50x128xf32, #tpu.memory_space<hbm>>
    %dma_wait3A_601 = tpu.memref_squeeze %dma_wait3A_600 : memref<1x50x128xf32, #tpu.memory_space<hbm>> -> memref<50x128xf32, #tpu.memory_space<hbm>>
    %dma_wait3A_602 = arith.constant 0 : i32
    %dma_wait3A_603 = arith.constant 0 : i32
    %dma_wait3A_604 = tpu.memref_slice %arg4[%add3A_597, %dma_wait3A_602, %dma_wait3A_603] : memref<4096x50x128xf32, #tpu.memory_space<hbm>> -> memref<1x50x128xf32, #tpu.memory_space<hbm>>
    %dma_wait3A_605 = tpu.memref_squeeze %dma_wait3A_604 : memref<1x50x128xf32, #tpu.memory_space<hbm>> -> memref<50x128xf32, #tpu.memory_space<hbm>>
    tpu.wait_dma2 semaphore(%arg29 : memref<!tpu.dma_semaphore, #tpu.memory_space<semaphore_mem>>) src(%arg17 : memref<50x128xf32, #tpu.memory_space<vmem>>) dst(%dma_wait3A_605 : memref<50x128xf32, #tpu.memory_space<hbm>>)
    %add3A_606 = arith.constant 120 : i32
    %add3A_607 = arith.addi %mul3A_2, %add3A_606 : i32
    %dma_wait3A_608 = arith.constant 0 : i32
    %dma_wait3A_609 = arith.constant 0 : i32
    %dma_wait3A_610 = tpu.memref_slice %arg4[%add3A_607, %dma_wait3A_608, %dma_wait3A_609] : memref<4096x50x128xf32, #tpu.memory_space<hbm>> -> memref<1x50x128xf32, #tpu.memory_space<hbm>>
    %dma_wait3A_611 = tpu.memref_squeeze %dma_wait3A_610 : memref<1x50x128xf32, #tpu.memory_space<hbm>> -> memref<50x128xf32, #tpu.memory_space<hbm>>
    %dma_wait3A_612 = arith.constant 0 : i32
    %dma_wait3A_613 = arith.constant 0 : i32
    %dma_wait3A_614 = tpu.memref_slice %arg4[%add3A_607, %dma_wait3A_612, %dma_wait3A_613] : memref<4096x50x128xf32, #tpu.memory_space<hbm>> -> memref<1x50x128xf32, #tpu.memory_space<hbm>>
    %dma_wait3A_615 = tpu.memref_squeeze %dma_wait3A_614 : memref<1x50x128xf32, #tpu.memory_space<hbm>> -> memref<50x128xf32, #tpu.memory_space<hbm>>
    tpu.wait_dma2 semaphore(%arg18 : memref<!tpu.dma_semaphore, #tpu.memory_space<semaphore_mem>>) src(%arg6 : memref<50x128xf32, #tpu.memory_space<vmem>>) dst(%dma_wait3A_615 : memref<50x128xf32, #tpu.memory_space<hbm>>)
    %add3A_616 = arith.constant 121 : i32
    %add3A_617 = arith.addi %mul3A_2, %add3A_616 : i32
    %dma_wait3A_618 = arith.constant 0 : i32
    %dma_wait3A_619 = arith.constant 0 : i32
    %dma_wait3A_620 = tpu.memref_slice %arg4[%add3A_617, %dma_wait3A_618, %dma_wait3A_619] : memref<4096x50x128xf32, #tpu.memory_space<hbm>> -> memref<1x50x128xf32, #tpu.memory_space<hbm>>
    %dma_wait3A_621 = tpu.memref_squeeze %dma_wait3A_620 : memref<1x50x128xf32, #tpu.memory_space<hbm>> -> memref<50x128xf32, #tpu.memory_space<hbm>>
    %dma_wait3A_622 = arith.constant 0 : i32
    %dma_wait3A_623 = arith.constant 0 : i32
    %dma_wait3A_624 = tpu.memref_slice %arg4[%add3A_617, %dma_wait3A_622, %dma_wait3A_623] : memref<4096x50x128xf32, #tpu.memory_space<hbm>> -> memref<1x50x128xf32, #tpu.memory_space<hbm>>
    %dma_wait3A_625 = tpu.memref_squeeze %dma_wait3A_624 : memref<1x50x128xf32, #tpu.memory_space<hbm>> -> memref<50x128xf32, #tpu.memory_space<hbm>>
    tpu.wait_dma2 semaphore(%arg19 : memref<!tpu.dma_semaphore, #tpu.memory_space<semaphore_mem>>) src(%arg7 : memref<50x128xf32, #tpu.memory_space<vmem>>) dst(%dma_wait3A_625 : memref<50x128xf32, #tpu.memory_space<hbm>>)
    %add3A_626 = arith.constant 122 : i32
    %add3A_627 = arith.addi %mul3A_2, %add3A_626 : i32
    %dma_wait3A_628 = arith.constant 0 : i32
    %dma_wait3A_629 = arith.constant 0 : i32
    %dma_wait3A_630 = tpu.memref_slice %arg4[%add3A_627, %dma_wait3A_628, %dma_wait3A_629] : memref<4096x50x128xf32, #tpu.memory_space<hbm>> -> memref<1x50x128xf32, #tpu.memory_space<hbm>>
    %dma_wait3A_631 = tpu.memref_squeeze %dma_wait3A_630 : memref<1x50x128xf32, #tpu.memory_space<hbm>> -> memref<50x128xf32, #tpu.memory_space<hbm>>
    %dma_wait3A_632 = arith.constant 0 : i32
    %dma_wait3A_633 = arith.constant 0 : i32
    %dma_wait3A_634 = tpu.memref_slice %arg4[%add3A_627, %dma_wait3A_632, %dma_wait3A_633] : memref<4096x50x128xf32, #tpu.memory_space<hbm>> -> memref<1x50x128xf32, #tpu.memory_space<hbm>>
    %dma_wait3A_635 = tpu.memref_squeeze %dma_wait3A_634 : memref<1x50x128xf32, #tpu.memory_space<hbm>> -> memref<50x128xf32, #tpu.memory_space<hbm>>
    tpu.wait_dma2 semaphore(%arg20 : memref<!tpu.dma_semaphore, #tpu.memory_space<semaphore_mem>>) src(%arg8 : memref<50x128xf32, #tpu.memory_space<vmem>>) dst(%dma_wait3A_635 : memref<50x128xf32, #tpu.memory_space<hbm>>)
    %add3A_636 = arith.constant 123 : i32
    %add3A_637 = arith.addi %mul3A_2, %add3A_636 : i32
    %dma_wait3A_638 = arith.constant 0 : i32
    %dma_wait3A_639 = arith.constant 0 : i32
    %dma_wait3A_640 = tpu.memref_slice %arg4[%add3A_637, %dma_wait3A_638, %dma_wait3A_639] : memref<4096x50x128xf32, #tpu.memory_space<hbm>> -> memref<1x50x128xf32, #tpu.memory_space<hbm>>
    %dma_wait3A_641 = tpu.memref_squeeze %dma_wait3A_640 : memref<1x50x128xf32, #tpu.memory_space<hbm>> -> memref<50x128xf32, #tpu.memory_space<hbm>>
    %dma_wait3A_642 = arith.constant 0 : i32
    %dma_wait3A_643 = arith.constant 0 : i32
    %dma_wait3A_644 = tpu.memref_slice %arg4[%add3A_637, %dma_wait3A_642, %dma_wait3A_643] : memref<4096x50x128xf32, #tpu.memory_space<hbm>> -> memref<1x50x128xf32, #tpu.memory_space<hbm>>
    %dma_wait3A_645 = tpu.memref_squeeze %dma_wait3A_644 : memref<1x50x128xf32, #tpu.memory_space<hbm>> -> memref<50x128xf32, #tpu.memory_space<hbm>>
    tpu.wait_dma2 semaphore(%arg21 : memref<!tpu.dma_semaphore, #tpu.memory_space<semaphore_mem>>) src(%arg9 : memref<50x128xf32, #tpu.memory_space<vmem>>) dst(%dma_wait3A_645 : memref<50x128xf32, #tpu.memory_space<hbm>>)
    %add3A_646 = arith.constant 124 : i32
    %add3A_647 = arith.addi %mul3A_2, %add3A_646 : i32
    %dma_wait3A_648 = arith.constant 0 : i32
    %dma_wait3A_649 = arith.constant 0 : i32
    %dma_wait3A_650 = tpu.memref_slice %arg4[%add3A_647, %dma_wait3A_648, %dma_wait3A_649] : memref<4096x50x128xf32, #tpu.memory_space<hbm>> -> memref<1x50x128xf32, #tpu.memory_space<hbm>>
    %dma_wait3A_651 = tpu.memref_squeeze %dma_wait3A_650 : memref<1x50x128xf32, #tpu.memory_space<hbm>> -> memref<50x128xf32, #tpu.memory_space<hbm>>
    %dma_wait3A_652 = arith.constant 0 : i32
    %dma_wait3A_653 = arith.constant 0 : i32
    %dma_wait3A_654 = tpu.memref_slice %arg4[%add3A_647, %dma_wait3A_652, %dma_wait3A_653] : memref<4096x50x128xf32, #tpu.memory_space<hbm>> -> memref<1x50x128xf32, #tpu.memory_space<hbm>>
    %dma_wait3A_655 = tpu.memref_squeeze %dma_wait3A_654 : memref<1x50x128xf32, #tpu.memory_space<hbm>> -> memref<50x128xf32, #tpu.memory_space<hbm>>
    tpu.wait_dma2 semaphore(%arg22 : memref<!tpu.dma_semaphore, #tpu.memory_space<semaphore_mem>>) src(%arg10 : memref<50x128xf32, #tpu.memory_space<vmem>>) dst(%dma_wait3A_655 : memref<50x128xf32, #tpu.memory_space<hbm>>)
    %add3A_656 = arith.constant 125 : i32
    %add3A_657 = arith.addi %mul3A_2, %add3A_656 : i32
    %dma_wait3A_658 = arith.constant 0 : i32
    %dma_wait3A_659 = arith.constant 0 : i32
    %dma_wait3A_660 = tpu.memref_slice %arg4[%add3A_657, %dma_wait3A_658, %dma_wait3A_659] : memref<4096x50x128xf32, #tpu.memory_space<hbm>> -> memref<1x50x128xf32, #tpu.memory_space<hbm>>
    %dma_wait3A_661 = tpu.memref_squeeze %dma_wait3A_660 : memref<1x50x128xf32, #tpu.memory_space<hbm>> -> memref<50x128xf32, #tpu.memory_space<hbm>>
    %dma_wait3A_662 = arith.constant 0 : i32
    %dma_wait3A_663 = arith.constant 0 : i32
    %dma_wait3A_664 = tpu.memref_slice %arg4[%add3A_657, %dma_wait3A_662, %dma_wait3A_663] : memref<4096x50x128xf32, #tpu.memory_space<hbm>> -> memref<1x50x128xf32, #tpu.memory_space<hbm>>
    %dma_wait3A_665 = tpu.memref_squeeze %dma_wait3A_664 : memref<1x50x128xf32, #tpu.memory_space<hbm>> -> memref<50x128xf32, #tpu.memory_space<hbm>>
    tpu.wait_dma2 semaphore(%arg23 : memref<!tpu.dma_semaphore, #tpu.memory_space<semaphore_mem>>) src(%arg11 : memref<50x128xf32, #tpu.memory_space<vmem>>) dst(%dma_wait3A_665 : memref<50x128xf32, #tpu.memory_space<hbm>>)
    %add3A_666 = arith.constant 126 : i32
    %add3A_667 = arith.addi %mul3A_2, %add3A_666 : i32
    %dma_wait3A_668 = arith.constant 0 : i32
    %dma_wait3A_669 = arith.constant 0 : i32
    %dma_wait3A_670 = tpu.memref_slice %arg4[%add3A_667, %dma_wait3A_668, %dma_wait3A_669] : memref<4096x50x128xf32, #tpu.memory_space<hbm>> -> memref<1x50x128xf32, #tpu.memory_space<hbm>>
    %dma_wait3A_671 = tpu.memref_squeeze %dma_wait3A_670 : memref<1x50x128xf32, #tpu.memory_space<hbm>> -> memref<50x128xf32, #tpu.memory_space<hbm>>
    %dma_wait3A_672 = arith.constant 0 : i32
    %dma_wait3A_673 = arith.constant 0 : i32
    %dma_wait3A_674 = tpu.memref_slice %arg4[%add3A_667, %dma_wait3A_672, %dma_wait3A_673] : memref<4096x50x128xf32, #tpu.memory_space<hbm>> -> memref<1x50x128xf32, #tpu.memory_space<hbm>>
    %dma_wait3A_675 = tpu.memref_squeeze %dma_wait3A_674 : memref<1x50x128xf32, #tpu.memory_space<hbm>> -> memref<50x128xf32, #tpu.memory_space<hbm>>
    tpu.wait_dma2 semaphore(%arg24 : memref<!tpu.dma_semaphore, #tpu.memory_space<semaphore_mem>>) src(%arg12 : memref<50x128xf32, #tpu.memory_space<vmem>>) dst(%dma_wait3A_675 : memref<50x128xf32, #tpu.memory_space<hbm>>)
    %add3A_676 = arith.constant 127 : i32
    %add3A_677 = arith.addi %mul3A_2, %add3A_676 : i32
    %dma_wait3A_678 = arith.constant 0 : i32
    %dma_wait3A_679 = arith.constant 0 : i32
    %dma_wait3A_680 = tpu.memref_slice %arg4[%add3A_677, %dma_wait3A_678, %dma_wait3A_679] : memref<4096x50x128xf32, #tpu.memory_space<hbm>> -> memref<1x50x128xf32, #tpu.memory_space<hbm>>
    %dma_wait3A_681 = tpu.memref_squeeze %dma_wait3A_680 : memref<1x50x128xf32, #tpu.memory_space<hbm>> -> memref<50x128xf32, #tpu.memory_space<hbm>>
    %dma_wait3A_682 = arith.constant 0 : i32
    %dma_wait3A_683 = arith.constant 0 : i32
    %dma_wait3A_684 = tpu.memref_slice %arg4[%add3A_677, %dma_wait3A_682, %dma_wait3A_683] : memref<4096x50x128xf32, #tpu.memory_space<hbm>> -> memref<1x50x128xf32, #tpu.memory_space<hbm>>
    %dma_wait3A_685 = tpu.memref_squeeze %dma_wait3A_684 : memref<1x50x128xf32, #tpu.memory_space<hbm>> -> memref<50x128xf32, #tpu.memory_space<hbm>>
    tpu.wait_dma2 semaphore(%arg25 : memref<!tpu.dma_semaphore, #tpu.memory_space<semaphore_mem>>) src(%arg13 : memref<50x128xf32, #tpu.memory_space<vmem>>) dst(%dma_wait3A_685 : memref<50x128xf32, #tpu.memory_space<hbm>>)
    return
  }
}

</mosaic_0001>

<sc_bundles>
// kernel: kernel.3.cloned.1.call-start
scs
__scs_entry_jumppad:
0x0: {  	(pc) =	sbr.rel $0x88, $3  }
0x1: {  	(tag) =	ssettag $0x0;
	lr =	simm.s32 $0x1  }
0x2: {  	[smem:$0x3F9F] =	sst lr;
	_ =	strace $0xD0000000  }
0x3: {  	_ = 	snop  }
0x4: {  	_ = 	snop  }
0x5: {  	_ = 	snop  }
0x6: {  	_ = 	snop  }
0x7: {  	_ = 	snop  }
__scs_overlays_trampoline_lowered:
0x8: {  	[smem:$0x3FAE] =	sst s0  }
0x9: {  	[smem:$0x3FAF] =	sst s1  }
0xa: {  	[smem:$0x3FB0] =	sst s2  }
0xb: {  	[smem:$0x3FB1] =	sst s3  }
0xc: {  	[smem:$0x3FB2] =	sst s4  }
0xd: {  	[smem:$0x3FB3] =	sst s5  }
0xe: {  	[smem:$0x3FB4] =	sst s6  }
0xf: {  	[smem:$0x3FB5] =	sst s7  }
0x10: {  	[smem:$0x3FB6] =	sst s8  }
0x11: {  	[smem:$0x3FB7] =	sst s9;
	s0 =	simm.s32 @!p0 $0x0  }
0x12: {  	s1 =	sld [smem:$0x3F9D];
	s0 =	simm.s32 @p0 $0x1  }
0x13: {  	[smem:$0x3FB8] =	sst s0;
	s0 =	simm.s32 @!p1 $0x0  }
0x14: {  	s2 =	sld [smem:$0x3F9C];
	s0 =	simm.s32 @p1 $0x1  }
0x15: {  	[smem:$0x3FB9] =	sst s0;
	s0 =	simm.s32 @!p2 $0x0  }
0x16: {  	s3 =	sld [smem:$0x3FDB];
	s0 =	simm.s32 @p2 $0x1  }
0x17: {  	s4 =	simm.s32 $0x1BF5;
	[smem:$0x3FBB] =	sst s0  }
0x18: {  	s0 =	sld [smem:$0x3F9E];
	_ =	swait.ge [sflag:s4], $0x0  }
0x19: {  	s7 =	sld [smem:$0x3F9F]  }
0x1a: {  	s8 =	sadd.s32 $0xFFFFE003, lr  }
0x1b: {  	s9 =	sadd.s32 $0xFFFFFEF7, lr;
	s5 =	simm.s32 $0xFFFFFFFF;
	p2 =	slt.u32 s8, $0xFFFFF086  }
0x1c: {  	p1 =	slt.u32 s9, $0xF7A;
	s5 =	simm.s32 @!p2 $0x0  }
0x1d: {  	s5 =	simm.s32 @p1 $0x1;
	p0 =	seq.s32 s7, s2  }
0x1e: {  	s7 =	smul.u32 @!p0 $0xF7A, s2;
	p2 =	seq.s32 @!p0 s5, $0x0  }
0x1f: {  	s9 =	smul.u32 $0xF7A, s1;
	s8 =	simm.s32 @!p0 $0x1BF5;
	p2 =	por !p2, p0  }
0x20: {  	[sflag:s8] =	ssyncset.s32 @!p0 $0xFFFFF086;
	s6 =	sadd.s32 @!p0 s3, s7;
	s7 =	simm.s32 @!p0 $0x108  }
0x21: {  	s3 =	sadd.s32 s3, s9;
	s6 =	sadd.s32 @!p0 $0x88, s6;
	s7 =	simm.s32 @p2 $0x1082  }
0x22: {  	[simem:s7], [sflag:s8] =	dma.local @!p0 [hbm:s6], $0xF7A  }
0x23: {  	s9 =	sor.u32 $0xD0000000, s2;
	s6 =	simm.s32 $0x108;
	_ =	swait.ge @!p0 [sflag:s8], $0x0  }
0x24: {  	s3 =	sadd.s32 $0x88, s3;
	s6 =	simm.s32 @!p1 $0x1082;
	[sflag:s4] =	ssyncset.s32 $0xFFFFF086  }
0x25: {  	[simem:s6], [sflag:s4] =	dma.local [hbm:s3], $0xF7A  }
0x26: {  	[smem:$0x3F9F] =	sst s1;
	(tag) =	ssettag s2;
	_ =	strace s9  }
0x27: {  	s1 =	sld [smem:$0x3FAF]  }
0x28: {  	s2 =	sld [smem:$0x3FB0]  }
0x29: {  	s4 =	sld [smem:$0x3FB2]  }
0x2a: {  	p0 =	seq.s32 s5, $0x0;
	s5 =	sld [smem:$0x3FB3]  }
0x2b: {  	s6 =	sld [smem:$0x3FB4]  }
0x2c: {  	s7 =	sld [smem:$0x3FB5]  }
0x2d: {  	s3 =	simm.s32 $0x108;
	s8 =	sld [smem:$0x3FB6]  }
0x2e: {  	s3 =	simm.s32 @!p0 $0x1082;
	s9 =	sld [smem:$0x3FB7]  }
0x2f: {  	lr =	sadd.s32 s0, s3;
	s0 =	sld [smem:$0x3FAE]  }
0x30: {  	s3 =	sld [smem:$0x3FB1]  }
0x31: {  	[smem:$0x3FBA] =	sst s10  }
0x32: {  	s10 =	sld [smem:$0x3FB8];
	_ =	sdelay $0x3  }
0x33: {  	p0 =	seq.s32 s10, $0x1;
	s10 =	sld [smem:$0x3FBA];
	_ =	sdelay $0x3  }
0x34: {  	[smem:$0x3FBA] =	sst s10  }
0x35: {  	s10 =	sld [smem:$0x3FB9];
	_ =	sdelay $0x3  }
0x36: {  	p1 =	seq.s32 s10, $0x1;
	s10 =	sld [smem:$0x3FBA];
	_ =	sdelay $0x3  }
0x37: {  	[smem:$0x3FBA] =	sst s10  }
0x38: {  	s10 =	sld [smem:$0x3FBB]  }
0x39: {  	_ = 	snop;
	(pc) =	sbr.ind lr, $3  }
0x3a: {  	_ = 	snop  }
0x3b: {  	_ = 	snop  }
0x3c: {  	p2 =	seq.s32 s10, $0x1;
	s10 =	sld [smem:$0x3FBA]  }
0x3d: {  	_ =	shalt  }
0x3e: {  	_ =	shalt  }
0x3f: {  	_ =	shalt  }
0x40: {  	_ =	shalt  }
0x41: {  	_ =	shalt  }
0x42: {  	_ =	shalt  }
0x43: {  	_ =	shalt  }
0x44: {  	_ =	shalt  }
0x45: {  	_ =	shalt  }
0x46: {  	_ =	shalt  }
0x47: {  	_ =	shalt  }
0x48: {  	_ =	shalt  }
0x49: {  	_ =	shalt  }
0x4a: {  	_ =	shalt  }
0x4b: {  	_ =	shalt  }
0x4c: {  	_ =	shalt  }
0x4d: {  	_ =	shalt  }
0x4e: {  	_ =	shalt  }
0x4f: {  	_ =	shalt  }
0x50: {  	_ =	shalt  }
0x51: {  	_ =	shalt  }
0x52: {  	_ =	shalt  }
0x53: {  	_ =	shalt  }
0x54: {  	_ =	shalt  }
0x55: {  	_ =	shalt  }
0x56: {  	_ =	shalt  }
0x57: {  	_ =	shalt  }
0x58: {  	_ =	shalt  }
0x59: {  	_ =	shalt  }
0x5a: {  	_ =	shalt  }
0x5b: {  	_ =	shalt  }
0x5c: {  	_ =	shalt  }
0x5d: {  	_ =	shalt  }
0x5e: {  	_ =	shalt  }
0x5f: {  	_ =	shalt  }
0x60: {  	_ =	shalt  }
0x61: {  	_ =	shalt  }
0x62: {  	_ =	shalt  }
0x63: {  	_ =	shalt  }
0x64: {  	_ =	shalt  }
0x65: {  	_ =	shalt  }
0x66: {  	_ =	shalt  }
0x67: {  	_ =	shalt  }
0x68: {  	_ =	shalt  }
0x69: {  	_ =	shalt  }
0x6a: {  	_ =	shalt  }
0x6b: {  	_ =	shalt  }
0x6c: {  	_ =	shalt  }
0x6d: {  	_ =	shalt  }
0x6e: {  	_ =	shalt  }
0x6f: {  	_ =	shalt  }
0x70: {  	_ =	shalt  }
0x71: {  	_ =	shalt  }
0x72: {  	_ =	shalt  }
0x73: {  	_ =	shalt  }
0x74: {  	_ =	shalt  }
0x75: {  	_ =	shalt  }
0x76: {  	_ =	shalt  }
0x77: {  	_ =	shalt  }
0x78: {  	_ =	shalt  }
0x79: {  	_ =	shalt  }
0x7a: {  	_ =	shalt  }
0x7b: {  	_ =	shalt  }
0x7c: {  	_ =	shalt  }
0x7d: {  	_ =	shalt  }
0x7e: {  	_ =	shalt  }
0x7f: {  	_ =	shalt  }
0x80: {  	_ =	shalt  }
0x81: {  	_ =	shalt  }
0x82: {  	_ =	shalt  }
0x83: {  	_ =	shalt  }
0x84: {  	_ =	shalt  }
0x85: {  	_ =	shalt  }
0x86: {  	_ =	shalt  }
0x87: {  	_ =	shalt  }
.Lfunc_end0:
.L_simem_size_0:
called_computation_lowered:
.L_overlay_start_0:
0x88: {  	s2 =	sld [smem:$0x3FD9]  }
0x89: {  	s3 =	sld [smem:$0x3FFE];
	_ =	sdelay $0x1  }
0x8a: {  	s1 =	srdreg.scid  }
0x8b: {  	s0 =	sand.u32 $0x1, s1  }
0x8c: {  	s17 =	sshll.u32 s0, $0xA;
	s2 =	sadd.s32 s3, s2  }
0x8d: {  	s2 =	sadd.s32 s2, s17  }
0x8e: {  	[smem:$0x3FC6] =	sst s2  }
0x8f: {  	_ = 	snop  }
0x90: {  	s2 =	sld [smem:$0x3FC8]  }
0x91: {  	s18 =	sld [smem:$0x3FD0];
	(tm) =	ssettm $0x1  }
0x92: {  	s4 =	sld [smem:$0x3FFB];
	_ =	sdelay $0x3  }
0x93: {  	_ =	strace s4  }
0x94: {  	s4 =	sld [smem:$0x3FFC];
	_ =	sdelay $0x3  }
0x95: {  	_ =	strace s4  }
0x96: {  	s4 =	sld [smem:$0x3FFD];
	_ =	sdelay $0x3  }
0x97: {  	_ =	strace s4  }
0x98: {  	_ =	strace $0x8FFFFFFF  }
0x99: {  	s19 =	sld [smem:$0x3FDB];
	_ =	sdelay $0x1  }
0x9a: {  	s5 =	simm.s32 $_scs_section_size  }
0x9b: {  	s6 =	simm.s32 $_size__tile_overlayer_lowered;
	s7 =	simm.s32 $_tile_overlayer_lowered  }
0x9c: {  	s22 =	simm.s32 $0x1BFF;
	s21 =	sshll.u32 s7, $0x1;
	s4 =	sadd.s32 s5, s19  }
0x9d: {  	s8 =	simm.s32 $0x0;
	s20 =	sshll.u32 s6, $0x1;
	s6 =	sadd.s32 s21, s4  }
0x9e: {  	[timem:s8], [sflag:s22] =	dma.local [hbm:s6], s20  }
0x9f: {  	_ =	swait.ge [sflag:s22], s20  }
0xa0: {  	s5 =	ssub.s32 $0x0, s20;
	[sflag:s22] =	ssyncset.done $0x0  }
0xa1: {  	[sflag:s22] =	ssyncadd.s32 s5;
	_ =	sdelay $0x1  }
0xa2: {  	s23 =	simm.s32 $0x1B8B  }
0xa3: {  	_ =	swait.ge [sflag:s23], $0x1  }
0xa4: {  	[sflag:s23] =	ssyncset.done $0x0  }
0xa5: {  	s25 =	simm.s32 $0x1B8E;
	s24 =	sld [smem:$0x3FFE];
	[sflag:s23] =	ssyncadd.s32 $0xFFFFFFFF  }
0xa6: {  	s26 =	simm.s32 $execute0_lowered;
	[smem:$0x3FD2] =	sst s25  }
0xa7: {  	s6 =	sshll.u32 s26, $0x1;
	_ =	strace $0x80000046;
	[dreg:$0x1] =	wrdreg $0xFFFFFFFF  }
0xa8: {  	s28 =	simm.s32 $_size_execute0_lowered;
	s4 =	sadd.s32 s4, s6;
	[dreg:$0x0] =	wrdreg $0x0  }
0xa9: {  	s6 =	sshll.u32 s28, $0x1;
	[dreg:$0x2] =	wrdreg s4  }
0xaa: {  	[dreg:$0x3] =	wrdreg s6  }
0xab: {  	[dreg:$0x4] =	wrdreg $0xC0  }
0xac: {  	_ =	task [dreg:s8], $0x5FFFF  }
0xad: {  	[dreg:$0x1] =	wrdreg $0xFFFFFFFF  }
0xae: {  	[dreg:$0x0] =	wrdreg $0x60  }
0xaf: {  	[dreg:$0x2] =	wrdreg s2  }
0xb0: {  	[dreg:$0x3] =	wrdreg s18  }
0xb1: {  	[dreg:$0x4] =	wrdreg s24  }
0xb2: {  	[dreg:$0x5] =	wrdreg $0x9  }
0xb3: {  	_ =	task.clear_ibuf [dreg:s8], $0x6FFFF;
	_ =	strace $0x90000046  }
0xb4: {  	s29 =	simm.s32 $0x9;
	_ =	strace $0x80000048  }
0xb5: {  	_ =	swait.ge [sflag:s29], $0x1  }
0xb6: {  	[sflag:s29] =	ssyncadd.s32 $0xFFFFFFFF  }
0xb7: {  	_ =	strace $0x90000048  }
0xb8: {  	_ =	sfence  }
0xb9: {  	s30 =	sld [smem:$0x0];
	_ =	sdelay $0x2  }
0xba: {  	s31 =	sshll.u32 s1, $0xD;
	s1 =	sshrl.u32 s1, $0x2  }
0xbb: {  	s3 =	sand.u32 $0x4000, s31;
	s1 =	sadd.s32 s1, s30  }
0xbc: {  	s0 =	sor.u32 s3, s0;
	s1 =	sshll.u32 s1, $0x11  }
0xbd: {  	s0 =	sor.u32 s1, s0  }
0xbe: {  	s0 =	sadd.s32 $0x8F2B, s0  }
0xbf: {  	[sflag:s0] =	ssyncadd.remote.s32 $0x1  }
0xc0: {  	_ =	sfence.sel $0xFFFF  }
0xc1: {  	[dreg:$0x0] =	wrdreg $0xFFFFFFFF;
	(pc) =	sbr.abs _section_cstart, $3  }
0xc2: {  	[dreg:$0x1] =	wrdreg $0xFFFFFFFF  }
0xc3: {  	_ =	task.clear_ibuf [dreg:s8], $0x2FFFF;
	_ =	strace $0x9FFFFFFF  }
0xc4: {  	(tm) =	ssettm $0x7FFFFFFF  }
0xc5: {  	_ =	shalt  }
tec
execute0_lowered:
.L_overlay_start_1:
0x0: {  	(tag) =	ssettag $0x1  }
0x1: {  	s1 =	rddreg [dreg:$0x0];
	s0 =	srdreg.scid  }
0x2: {  	s2 =	rddreg [dreg:$0x1];
	s9 =	stileid.u32  }
0x3: {  	s4 =	rddreg [dreg:$0x2];
	s3 =	simm.s32 $0x0;
	s0 =	sand.u32 $0x1, s0  }
0x4: {  	s29 =	simm.s32 $0x32;
	s5 =	sshll.u32 s9, $0x8;
	s6 =	sshll.u32 s0, $0x7  }
0x5: {  	s30 =	simm.s32 $0x4000;
	s31 =	simm.s32 $0x7800;
	s5 =	sor.u32 s6, s5  }
0x6: {  	[smem:$0x7FF] =	sst s3;
	s7 =	smul.u32 $0x380, s5;
	s25 =	sshll.u32 s5, $0x4  }
0x7: {  	s4 =	sadd.s32 $0x400, s4;
	s18 =	smul.u32 $0x38000, s9;
	s2 =	sadd.s32 s2, s25  }
0x8: {  	_ =	strace $0x80000047;
	s7 =	sadd.s32 s4, s7;
	[dreg:$0x5] =	wrdreg s2  }
0x9: {  	s24 =	ssub.s32 $0x2, s0;
	s26 =	sadd.s32 $0x380, s7;
	[dreg:$0x4] =	wrdreg s7  }
0xa: {  	s8 =	sshrl.u32 s24, $0x1;
	s28 =	sadd.s32 $0x700, s7;
	[dreg:$0x6] =	wrdreg s26  }
0xb: {  	s6 =	ssub.s32 s24, s8;
	s8 =	sadd.s32 $0xA80, s7;
	[dreg:$0x7] =	wrdreg s28  }
0xc: {  	s9 =	simm.s32 $0x1;
	s10 =	sadd.s32 $0xE00, s7;
	[dreg:$0x8] =	wrdreg s8  }
0xd: {  	s0 =	smul.u32 $0x1C000, s0;
	s12 =	sadd.s32 $0x1180, s7;
	[dreg:$0x9] =	wrdreg s10  }
0xe: {  	s11 =	smul.u32 $0x1C00, s5;
	s13 =	sadd.s32 $0x1500, s7;
	[dreg:$0xa] =	wrdreg s12  }
0xf: {  	s5 =	simm.s32 $0xB000;
	s14 =	sadd.s32 $0x1880, s7;
	[dreg:$0xb] =	wrdreg s13  }
0x10: {  	s2 =	sshrl.u32 s11, $0x3;
	s15 =	sadd.s32 $0x1C00, s7;
	[dreg:$0xc] =	wrdreg s14  }
0x11: {  	s11 =	simm.s32 $0x2;
	s16 =	sadd.s32 $0x1F80, s7;
	[dreg:$0xd] =	wrdreg s15  }
0x12: {  	s17 =	sadd.s32 $0x2300, s7;
	s2 =	sadd.s32 s4, s2;
	[dreg:$0xe] =	wrdreg s16  }
0x13: {  	s4 =	sadd.s32 s18, s4;
	s18 =	simm.s32 $0x6;
	[dreg:$0xf] =	wrdreg s17  }
0x14: {  	s19 =	sadd.s32 $0x1A400, s2;
	s20 =	sadd.s32 $0x1A780, s2;
	s21 =	sadd.s32 $0x1AB00, s2  }
0x15: {  	s22 =	sadd.s32 $0x1AE80, s2;
	s23 =	sadd.s32 $0x1B200, s2;
	[dreg:$0x10] =	wrdreg s19  }
0x16: {  	s24 =	sadd.s32 $0x1B580, s2;
	s0 =	sadd.s32 s0, s4;
	[dreg:$0x11] =	wrdreg s20  }
0x17: {  	s25 =	sadd.s32 $0x1B900, s2;
	s2 =	sadd.s32 $0x1BC80, s2;
	[dreg:$0x12] =	wrdreg s21  }
0x18: {  	s26 =	smax.u32 s6, $0x1;
	s28 =	sadd.s32 $0x2680, s7;
	[dreg:$0x13] =	wrdreg s22  }
0x19: {  	s6 =	simm.s32 $0xCC00;
	s7 =	simm.s32 $0xE800;
	[dreg:$0x14] =	wrdreg s23  }
0x1a: {  	s8 =	simm.s32 $0x10400;
	s10 =	simm.s32 $0x12000;
	[dreg:$0x15] =	wrdreg s24  }
0x1b: {  	s12 =	simm.s32 $0x13C00;
	s13 =	simm.s32 $0x3;
	[dreg:$0x16] =	wrdreg s25  }
0x1c: {  	s14 =	simm.s32 $0x15800;
	s15 =	simm.s32 $0x4;
	[dreg:$0x17] =	wrdreg s2  }
0x1d: {  	s16 =	simm.s32 $0x17400;
	s17 =	simm.s32 $0x5;
	[dreg:$0x18] =	wrdreg s26  }
0x1e: {  	s0 =	sadd.s32 $0x2A00, s0;
	[dreg:$0x1a] =	wrdreg s28;
	s2 =	simm.s32 $0x5C00  }
0x1f: {  	s19 =	simm.s32 $0x7;
	s20 =	simm.s32 $0x8;
	s21 =	simm.s32 $0x9  }
0x20: {  	s22 =	simm.s32 $0xA;
	s23 =	simm.s32 $0xB;
	s24 =	simm.s32 $0xC  }
0x21: {  	s25 =	simm.s32 $0x0;
	[dreg:$0x19] =	wrdreg s0;
	s0 =	simm.s32 $0x9400  }
.LBB2_1:
0x22: {  	[dreg:$0x1b] =	wrdreg s25  }
0x23: {  	s4 =	rddreg [dreg:$0x5];
	s26 =	simm.s32 $0xD  }
0x24: {  	[tilespmem:s3], [sflag:$0xD] =	stream.linear.gather [hbm4b:s4+s3], $0x4000, $0x38;
	[tilespmem:$0x19000] =	vst v63  }
0x25: {  	_ =	swait.ge [sflag:s26], $0x4000  }
0x26: {  	[sflag:s26] =	ssyncset.done $0x0  }
0x27: {  	[sflag:s26] =	ssyncadd.s32 $0xFFFFC000  }
0x28: {  	[tilespmem:s30], [sflag:$0x1] =	stream.indirect.gather [hbm4b:s1+s29], $0x80, s3, s29, $0xb8;
	[tilespmem:$0x19000] =	vst v63  }
0x29: {  	s25 =	simm.s32 $0x80  }
0x2a: {  	[tilespmem:s2], [sflag:$0x2] =	stream.indirect.gather [hbm4b:s1+s29], $0x80, s25, s29, $0xb8;
	[tilespmem:$0x19000] =	vst v63  }
0x2b: {  	s26 =	simm.s32 $0x100  }
0x2c: {  	[tilespmem:s31], [sflag:$0x3] =	stream.indirect.gather [hbm4b:s1+s29], $0x80, s26, s29, $0xb8;
	[tilespmem:$0x19000] =	vst v63  }
0x2d: {  	s25 =	simm.s32 $0x180  }
0x2e: {  	[tilespmem:s0], [sflag:$0x4] =	stream.indirect.gather [hbm4b:s1+s29], $0x80, s25, s29, $0xb8;
	[tilespmem:$0x19000] =	vst v63  }
0x2f: {  	s26 =	simm.s32 $0x200  }
0x30: {  	[tilespmem:s5], [sflag:$0x5] =	stream.indirect.gather [hbm4b:s1+s29], $0x80, s26, s29, $0xb8;
	[tilespmem:$0x19000] =	vst v63  }
0x31: {  	s25 =	simm.s32 $0x280  }
0x32: {  	[tilespmem:s6], [sflag:$0x6] =	stream.indirect.gather [hbm4b:s1+s29], $0x80, s25, s29, $0xb8;
	[tilespmem:$0x19000] =	vst v63  }
0x33: {  	s26 =	simm.s32 $0x300  }
0x34: {  	[tilespmem:s7], [sflag:$0x7] =	stream.indirect.gather [hbm4b:s1+s29], $0x80, s26, s29, $0xb8;
	[tilespmem:$0x19000] =	vst v63  }
0x35: {  	s25 =	simm.s32 $0x380  }
0x36: {  	[tilespmem:s8], [sflag:$0x8] =	stream.indirect.gather [hbm4b:s1+s29], $0x80, s25, s29, $0xb8;
	[tilespmem:$0x19000] =	vst v63  }
0x37: {  	_ =	swait.ge [sflag:s9], $0x1900  }
0x38: {  	[sflag:s9] =	ssyncset.done $0x0  }
0x39: {  	s26 =	rddreg [dreg:$0x4];
	[sflag:s9] =	ssyncadd.s32 $0xFFFFE700  }
0x3a: {  	[hbm4b:s26+s3] =	stream.linear.scatter [tilespmem:s30], [sflag:$0x1], $0x1900, $0x38;
	[tilespmem:$0x19000] =	vst v63  }
0x3b: {  	s25 =	simm.s32 $0x400  }
0x3c: {  	[tilespmem:s10], [sflag:$0x9] =	stream.indirect.gather [hbm4b:s1+s29], $0x80, s25, s29, $0xb8;
	[tilespmem:$0x19000] =	vst v63  }
0x3d: {  	_ =	swait.ge [sflag:s11], $0x1900  }
0x3e: {  	[sflag:s11] =	ssyncset.done $0x0  }
0x3f: {  	s26 =	rddreg [dreg:$0x6];
	[sflag:s11] =	ssyncadd.s32 $0xFFFFE700  }
0x40: {  	[hbm4b:s26+s3] =	stream.linear.scatter [tilespmem:s2], [sflag:$0x2], $0x1900, $0x38;
	[tilespmem:$0x19000] =	vst v63  }
0x41: {  	s25 =	simm.s32 $0x480  }
0x42: {  	[tilespmem:s12], [sflag:$0xA] =	stream.indirect.gather [hbm4b:s1+s29], $0x80, s25, s29, $0xb8;
	[tilespmem:$0x19000] =	vst v63  }
0x43: {  	_ =	swait.ge [sflag:s13], $0x1900  }
0x44: {  	[sflag:s13] =	ssyncset.done $0x0  }
0x45: {  	s26 =	rddreg [dreg:$0x7];
	[sflag:s13] =	ssyncadd.s32 $0xFFFFE700  }
0x46: {  	[hbm4b:s26+s3] =	stream.linear.scatter [tilespmem:s31], [sflag:$0x3], $0x1900, $0x38;
	[tilespmem:$0x19000] =	vst v63  }
0x47: {  	s25 =	simm.s32 $0x500  }
0x48: {  	[tilespmem:s14], [sflag:$0xB] =	stream.indirect.gather [hbm4b:s1+s29], $0x80, s25, s29, $0xb8;
	[tilespmem:$0x19000] =	vst v63  }
0x49: {  	_ =	swait.ge [sflag:s15], $0x1900  }
0x4a: {  	[sflag:s15] =	ssyncset.done $0x0  }
0x4b: {  	s26 =	rddreg [dreg:$0x8];
	[sflag:s15] =	ssyncadd.s32 $0xFFFFE700  }
0x4c: {  	[hbm4b:s26+s3] =	stream.linear.scatter [tilespmem:s0], [sflag:$0x4], $0x1900, $0x38;
	[tilespmem:$0x19000] =	vst v63  }
0x4d: {  	s25 =	simm.s32 $0x580  }
0x4e: {  	[tilespmem:s16], [sflag:$0xC] =	stream.indirect.gather [hbm4b:s1+s29], $0x80, s25, s29, $0xb8;
	[tilespmem:$0x19000] =	vst v63  }
0x4f: {  	_ =	swait.ge [sflag:s17], $0x1900  }
0x50: {  	[sflag:s17] =	ssyncset.done $0x0  }
0x51: {  	s26 =	rddreg [dreg:$0x9];
	[sflag:s17] =	ssyncadd.s32 $0xFFFFE700  }
0x52: {  	[hbm4b:s26+s3] =	stream.linear.scatter [tilespmem:s5], [sflag:$0x5], $0x1900, $0x38;
	[tilespmem:$0x19000] =	vst v63  }
0x53: {  	_ =	swait.ge [sflag:s9], $0x1900  }
0x54: {  	[sflag:s9] =	ssyncset.done $0x0  }
0x55: {  	s25 =	simm.s32 $0x600;
	[sflag:s9] =	ssyncadd.s32 $0xFFFFE700  }
0x56: {  	[tilespmem:s30], [sflag:$0x1] =	stream.indirect.gather [hbm4b:s1+s29], $0x80, s25, s29, $0xb8;
	[tilespmem:$0x19000] =	vst v63  }
0x57: {  	_ =	swait.ge [sflag:s18], $0x1900  }
0x58: {  	[sflag:s18] =	ssyncset.done $0x0  }
0x59: {  	s26 =	rddreg [dreg:$0xa];
	[sflag:s18] =	ssyncadd.s32 $0xFFFFE700  }
0x5a: {  	[hbm4b:s26+s3] =	stream.linear.scatter [tilespmem:s6], [sflag:$0x6], $0x1900, $0x38;
	[tilespmem:$0x19000] =	vst v63  }
0x5b: {  	_ =	swait.ge [sflag:s11], $0x1900  }
0x5c: {  	[sflag:s11] =	ssyncset.done $0x0  }
0x5d: {  	s25 =	simm.s32 $0x680;
	[sflag:s11] =	ssyncadd.s32 $0xFFFFE700  }
0x5e: {  	[tilespmem:s2], [sflag:$0x2] =	stream.indirect.gather [hbm4b:s1+s29], $0x80, s25, s29, $0xb8;
	[tilespmem:$0x19000] =	vst v63  }
0x5f: {  	_ =	swait.ge [sflag:s19], $0x1900  }
0x60: {  	[sflag:s19] =	ssyncset.done $0x0  }
0x61: {  	s26 =	rddreg [dreg:$0xb];
	[sflag:s19] =	ssyncadd.s32 $0xFFFFE700  }
0x62: {  	[hbm4b:s26+s3] =	stream.linear.scatter [tilespmem:s7], [sflag:$0x7], $0x1900, $0x38;
	[tilespmem:$0x19000] =	vst v63  }
0x63: {  	_ =	swait.ge [sflag:s13], $0x1900  }
0x64: {  	[sflag:s13] =	ssyncset.done $0x0  }
0x65: {  	s25 =	simm.s32 $0x700;
	[sflag:s13] =	ssyncadd.s32 $0xFFFFE700  }
0x66: {  	[tilespmem:s31], [sflag:$0x3] =	stream.indirect.gather [hbm4b:s1+s29], $0x80, s25, s29, $0xb8;
	[tilespmem:$0x19000] =	vst v63  }
0x67: {  	_ =	swait.ge [sflag:s20], $0x1900  }
0x68: {  	[sflag:s20] =	ssyncset.done $0x0  }
0x69: {  	s26 =	rddreg [dreg:$0xc];
	[sflag:s20] =	ssyncadd.s32 $0xFFFFE700  }
0x6a: {  	[hbm4b:s26+s3] =	stream.linear.scatter [tilespmem:s8], [sflag:$0x8], $0x1900, $0x38;
	[tilespmem:$0x19000] =	vst v63  }
0x6b: {  	_ =	swait.ge [sflag:s15], $0x1900  }
0x6c: {  	[sflag:s15] =	ssyncset.done $0x0  }
0x6d: {  	s25 =	simm.s32 $0x780;
	[sflag:s15] =	ssyncadd.s32 $0xFFFFE700  }
0x6e: {  	[tilespmem:s0], [sflag:$0x4] =	stream.indirect.gather [hbm4b:s1+s29], $0x80, s25, s29, $0xb8;
	[tilespmem:$0x19000] =	vst v63  }
0x6f: {  	_ =	swait.ge [sflag:s21], $0x1900  }
0x70: {  	[sflag:s21] =	ssyncset.done $0x0  }
0x71: {  	s26 =	rddreg [dreg:$0xd];
	[sflag:s21] =	ssyncadd.s32 $0xFFFFE700  }
0x72: {  	[hbm4b:s26+s3] =	stream.linear.scatter [tilespmem:s10], [sflag:$0x9], $0x1900, $0x38;
	[tilespmem:$0x19000] =	vst v63  }
0x73: {  	_ =	swait.ge [sflag:s17], $0x1900  }
0x74: {  	[sflag:s17] =	ssyncset.done $0x0  }
0x75: {  	s25 =	simm.s32 $0x800;
	[sflag:s17] =	ssyncadd.s32 $0xFFFFE700  }
0x76: {  	[tilespmem:s5], [sflag:$0x5] =	stream.indirect.gather [hbm4b:s1+s29], $0x80, s25, s29, $0xb8;
	[tilespmem:$0x19000] =	vst v63  }
0x77: {  	_ =	swait.ge [sflag:s22], $0x1900  }
0x78: {  	[sflag:s22] =	ssyncset.done $0x0  }
0x79: {  	s26 =	rddreg [dreg:$0xe];
	[sflag:s22] =	ssyncadd.s32 $0xFFFFE700  }
0x7a: {  	[hbm4b:s26+s3] =	stream.linear.scatter [tilespmem:s12], [sflag:$0xA], $0x1900, $0x38;
	[tilespmem:$0x19000] =	vst v63  }
0x7b: {  	_ =	swait.ge [sflag:s18], $0x1900  }
0x7c: {  	[sflag:s18] =	ssyncset.done $0x0  }
0x7d: {  	s25 =	simm.s32 $0x880;
	[sflag:s18] =	ssyncadd.s32 $0xFFFFE700  }
0x7e: {  	[tilespmem:s6], [sflag:$0x6] =	stream.indirect.gather [hbm4b:s1+s29], $0x80, s25, s29, $0xb8;
	[tilespmem:$0x19000] =	vst v63  }
0x7f: {  	_ =	swait.ge [sflag:s23], $0x1900  }
0x80: {  	[sflag:s23] =	ssyncset.done $0x0  }
0x81: {  	s26 =	rddreg [dreg:$0xf];
	[sflag:s23] =	ssyncadd.s32 $0xFFFFE700  }
0x82: {  	[hbm4b:s26+s3] =	stream.linear.scatter [tilespmem:s14], [sflag:$0xB], $0x1900, $0x38;
	[tilespmem:$0x19000] =	vst v63  }
0x83: {  	_ =	swait.ge [sflag:s19], $0x1900  }
0x84: {  	[sflag:s19] =	ssyncset.done $0x0  }
0x85: {  	s25 =	simm.s32 $0x900;
	[sflag:s19] =	ssyncadd.s32 $0xFFFFE700  }
0x86: {  	[tilespmem:s7], [sflag:$0x7] =	stream.indirect.gather [hbm4b:s1+s29], $0x80, s25, s29, $0xb8;
	[tilespmem:$0x19000] =	vst v63  }
0x87: {  	_ =	swait.ge [sflag:s24], $0x1900  }
0x88: {  	[sflag:s24] =	ssyncset.done $0x0  }
0x89: {  	s26 =	rddreg [dreg:$0x1a];
	[sflag:s24] =	ssyncadd.s32 $0xFFFFE700  }
0x8a: {  	[hbm4b:s26+s3] =	stream.linear.scatter [tilespmem:s16], [sflag:$0xC], $0x1900, $0x38;
	[tilespmem:$0x19000] =	vst v63  }
0x8b: {  	_ =	swait.ge [sflag:s20], $0x1900  }
0x8c: {  	[sflag:s20] =	ssyncset.done $0x0  }
0x8d: {  	s25 =	simm.s32 $0x980;
	[sflag:s20] =	ssyncadd.s32 $0xFFFFE700  }
0x8e: {  	[tilespmem:s8], [sflag:$0x8] =	stream.indirect.gather [hbm4b:s1+s29], $0x80, s25, s29, $0xb8;
	[tilespmem:$0x19000] =	vst v63  }
0x8f: {  	_ =	swait.ge [sflag:s9], $0x1900  }
0x90: {  	[sflag:s9] =	ssyncset.done $0x0  }
0x91: {  	s25 =	rddreg [dreg:$0x19];
	[sflag:s9] =	ssyncadd.s32 $0xFFFFE700  }
0x92: {  	[hbm4b:s25+s3] =	stream.linear.scatter [tilespmem:s30], [sflag:$0x1], $0x1900, $0x38;
	[tilespmem:$0x19000] =	vst v63  }
0x93: {  	_ =	swait.ge [sflag:s21], $0x1900  }
0x94: {  	[sflag:s21] =	ssyncset.done $0x0  }
0x95: {  	s26 =	simm.s32 $0xA00;
	[sflag:s21] =	ssyncadd.s32 $0xFFFFE700  }
0x96: {  	[tilespmem:s10], [sflag:$0x9] =	stream.indirect.gather [hbm4b:s1+s29], $0x80, s26, s29, $0xb8;
	[tilespmem:$0x19000] =	vst v63  }
0x97: {  	_ =	swait.ge [sflag:s11], $0x1900  }
0x98: {  	[sflag:s11] =	ssyncset.done $0x0  }
0x99: {  	s26 =	sadd.s32 $0x380, s25;
	[sflag:s11] =	ssyncadd.s32 $0xFFFFE700  }
0x9a: {  	[hbm4b:s26+s3] =	stream.linear.scatter [tilespmem:s2], [sflag:$0x2], $0x1900, $0x38;
	[tilespmem:$0x19000] =	vst v63  }
0x9b: {  	_ =	swait.ge [sflag:s22], $0x1900  }
0x9c: {  	[sflag:s22] =	ssyncset.done $0x0  }
0x9d: {  	s26 =	simm.s32 $0xA80;
	[sflag:s22] =	ssyncadd.s32 $0xFFFFE700  }
0x9e: {  	[tilespmem:s12], [sflag:$0xA] =	stream.indirect.gather [hbm4b:s1+s29], $0x80, s26, s29, $0xb8;
	[tilespmem:$0x19000] =	vst v63  }
0x9f: {  	_ =	swait.ge [sflag:s13], $0x1900  }
0xa0: {  	[sflag:s13] =	ssyncset.done $0x0  }
0xa1: {  	s26 =	sadd.s32 $0x700, s25;
	[sflag:s13] =	ssyncadd.s32 $0xFFFFE700  }
0xa2: {  	[hbm4b:s26+s3] =	stream.linear.scatter [tilespmem:s31], [sflag:$0x3], $0x1900, $0x38;
	[tilespmem:$0x19000] =	vst v63  }
0xa3: {  	_ =	swait.ge [sflag:s23], $0x1900  }
0xa4: {  	[sflag:s23] =	ssyncset.done $0x0  }
0xa5: {  	s26 =	simm.s32 $0xB00;
	[sflag:s23] =	ssyncadd.s32 $0xFFFFE700  }
0xa6: {  	[tilespmem:s14], [sflag:$0xB] =	stream.indirect.gather [hbm4b:s1+s29], $0x80, s26, s29, $0xb8;
	[tilespmem:$0x19000] =	vst v63  }
0xa7: {  	_ =	swait.ge [sflag:s15], $0x1900  }
0xa8: {  	[sflag:s15] =	ssyncset.done $0x0  }
0xa9: {  	s26 =	sadd.s32 $0xA80, s25;
	[sflag:s15] =	ssyncadd.s32 $0xFFFFE700  }
0xaa: {  	[hbm4b:s26+s3] =	stream.linear.scatter [tilespmem:s0], [sflag:$0x4], $0x1900, $0x38;
	[tilespmem:$0x19000] =	vst v63  }
0xab: {  	_ =	swait.ge [sflag:s24], $0x1900  }
0xac: {  	[sflag:s24] =	ssyncset.done $0x0  }
0xad: {  	s26 =	simm.s32 $0xB80;
	[sflag:s24] =	ssyncadd.s32 $0xFFFFE700  }
0xae: {  	[tilespmem:s16], [sflag:$0xC] =	stream.indirect.gather [hbm4b:s1+s29], $0x80, s26, s29, $0xb8;
	[tilespmem:$0x19000] =	vst v63  }
0xaf: {  	_ =	swait.ge [sflag:s17], $0x1900  }
0xb0: {  	[sflag:s17] =	ssyncset.done $0x0  }
0xb1: {  	s26 =	sadd.s32 $0xE00, s25;
	[sflag:s17] =	ssyncadd.s32 $0xFFFFE700  }
0xb2: {  	[hbm4b:s26+s3] =	stream.linear.scatter [tilespmem:s5], [sflag:$0x5], $0x1900, $0x38;
	[tilespmem:$0x19000] =	vst v63  }
0xb3: {  	_ =	swait.ge [sflag:s9], $0x1900  }
0xb4: {  	[sflag:s9] =	ssyncset.done $0x0  }
0xb5: {  	s26 =	simm.s32 $0xC00;
	[sflag:s9] =	ssyncadd.s32 $0xFFFFE700  }
0xb6: {  	[tilespmem:s30], [sflag:$0x1] =	stream.indirect.gather [hbm4b:s1+s29], $0x80, s26, s29, $0xb8;
	[tilespmem:$0x19000] =	vst v63  }
0xb7: {  	_ =	swait.ge [sflag:s18], $0x1900  }
0xb8: {  	[sflag:s18] =	ssyncset.done $0x0  }
0xb9: {  	s26 =	sadd.s32 $0x1180, s25;
	[sflag:s18] =	ssyncadd.s32 $0xFFFFE700  }
0xba: {  	[hbm4b:s26+s3] =	stream.linear.scatter [tilespmem:s6], [sflag:$0x6], $0x1900, $0x38;
	[tilespmem:$0x19000] =	vst v63  }
0xbb: {  	_ =	swait.ge [sflag:s11], $0x1900  }
0xbc: {  	[sflag:s11] =	ssyncset.done $0x0  }
0xbd: {  	s26 =	simm.s32 $0xC80;
	[sflag:s11] =	ssyncadd.s32 $0xFFFFE700  }
0xbe: {  	[tilespmem:s2], [sflag:$0x2] =	stream.indirect.gather [hbm4b:s1+s29], $0x80, s26, s29, $0xb8;
	[tilespmem:$0x19000] =	vst v63  }
0xbf: {  	_ =	swait.ge [sflag:s19], $0x1900  }
0xc0: {  	[sflag:s19] =	ssyncset.done $0x0  }
0xc1: {  	s26 =	sadd.s32 $0x1500, s25;
	[sflag:s19] =	ssyncadd.s32 $0xFFFFE700  }
0xc2: {  	[hbm4b:s26+s3] =	stream.linear.scatter [tilespmem:s7], [sflag:$0x7], $0x1900, $0x38;
	[tilespmem:$0x19000] =	vst v63  }
0xc3: {  	_ =	swait.ge [sflag:s13], $0x1900  }
0xc4: {  	[sflag:s13] =	ssyncset.done $0x0  }
0xc5: {  	s26 =	simm.s32 $0xD00;
	[sflag:s13] =	ssyncadd.s32 $0xFFFFE700  }
0xc6: {  	[tilespmem:s31], [sflag:$0x3] =	stream.indirect.gather [hbm4b:s1+s29], $0x80, s26, s29, $0xb8;
	[tilespmem:$0x19000] =	vst v63  }
0xc7: {  	_ =	swait.ge [sflag:s20], $0x1900  }
0xc8: {  	[sflag:s20] =	ssyncset.done $0x0  }
0xc9: {  	s26 =	sadd.s32 $0x1880, s25;
	[sflag:s20] =	ssyncadd.s32 $0xFFFFE700  }
0xca: {  	[hbm4b:s26+s3] =	stream.linear.scatter [tilespmem:s8], [sflag:$0x8], $0x1900, $0x38;
	[tilespmem:$0x19000] =	vst v63  }
0xcb: {  	_ =	swait.ge [sflag:s15], $0x1900  }
0xcc: {  	[sflag:s15] =	ssyncset.done $0x0  }
0xcd: {  	s26 =	simm.s32 $0xD80;
	[sflag:s15] =	ssyncadd.s32 $0xFFFFE700  }
0xce: {  	[tilespmem:s0], [sflag:$0x4] =	stream.indirect.gather [hbm4b:s1+s29], $0x80, s26, s29, $0xb8;
	[tilespmem:$0x19000] =	vst v63  }
0xcf: {  	_ =	swait.ge [sflag:s21], $0x1900  }
0xd0: {  	[sflag:s21] =	ssyncset.done $0x0  }
0xd1: {  	s26 =	sadd.s32 $0x1C00, s25;
	[sflag:s21] =	ssyncadd.s32 $0xFFFFE700  }
0xd2: {  	[hbm4b:s26+s3] =	stream.linear.scatter [tilespmem:s10], [sflag:$0x9], $0x1900, $0x38;
	[tilespmem:$0x19000] =	vst v63  }
0xd3: {  	_ =	swait.ge [sflag:s17], $0x1900  }
0xd4: {  	[sflag:s17] =	ssyncset.done $0x0  }
0xd5: {  	s26 =	simm.s32 $0xE00;
	[sflag:s17] =	ssyncadd.s32 $0xFFFFE700  }
0xd6: {  	[tilespmem:s5], [sflag:$0x5] =	stream.indirect.gather [hbm4b:s1+s29], $0x80, s26, s29, $0xb8;
	[tilespmem:$0x19000] =	vst v63  }
0xd7: {  	_ =	swait.ge [sflag:s22], $0x1900  }
0xd8: {  	[sflag:s22] =	ssyncset.done $0x0  }
0xd9: {  	s26 =	sadd.s32 $0x1F80, s25;
	[sflag:s22] =	ssyncadd.s32 $0xFFFFE700  }
0xda: {  	[hbm4b:s26+s3] =	stream.linear.scatter [tilespmem:s12], [sflag:$0xA], $0x1900, $0x38;
	[tilespmem:$0x19000] =	vst v63  }
0xdb: {  	_ =	swait.ge [sflag:s18], $0x1900  }
0xdc: {  	[sflag:s18] =	ssyncset.done $0x0  }
0xdd: {  	s26 =	simm.s32 $0xE80;
	[sflag:s18] =	ssyncadd.s32 $0xFFFFE700  }
0xde: {  	[tilespmem:s6], [sflag:$0x6] =	stream.indirect.gather [hbm4b:s1+s29], $0x80, s26, s29, $0xb8;
	[tilespmem:$0x19000] =	vst v63  }
0xdf: {  	_ =	swait.ge [sflag:s23], $0x1900  }
0xe0: {  	[sflag:s23] =	ssyncset.done $0x0  }
0xe1: {  	s26 =	sadd.s32 $0x2300, s25;
	[sflag:s23] =	ssyncadd.s32 $0xFFFFE700  }
0xe2: {  	[hbm4b:s26+s3] =	stream.linear.scatter [tilespmem:s14], [sflag:$0xB], $0x1900, $0x38;
	[tilespmem:$0x19000] =	vst v63  }
0xe3: {  	_ =	swait.ge [sflag:s19], $0x1900  }
0xe4: {  	[sflag:s19] =	ssyncset.done $0x0  }
0xe5: {  	s26 =	simm.s32 $0xF00;
	[sflag:s19] =	ssyncadd.s32 $0xFFFFE700  }
0xe6: {  	[tilespmem:s7], [sflag:$0x7] =	stream.indirect.gather [hbm4b:s1+s29], $0x80, s26, s29, $0xb8;
	[tilespmem:$0x19000] =	vst v63  }
0xe7: {  	_ =	swait.ge [sflag:s24], $0x1900  }
0xe8: {  	[sflag:s24] =	ssyncset.done $0x0  }
0xe9: {  	s26 =	sadd.s32 $0x2680, s25;
	[sflag:s24] =	ssyncadd.s32 $0xFFFFE700  }
0xea: {  	[hbm4b:s26+s3] =	stream.linear.scatter [tilespmem:s16], [sflag:$0xC], $0x1900, $0x38;
	[tilespmem:$0x19000] =	vst v63  }
0xeb: {  	_ =	swait.ge [sflag:s20], $0x1900  }
0xec: {  	s4 =	simm.s32 $0x1800;
	[sflag:s20] =	ssyncset.done $0x0  }
0xed: {  	s28 =	sadd.s32 $0x2A00, s25;
	s26 =	simm.s32 $0xF80;
	[sflag:s20] =	ssyncadd.s32 $0xFFFFE700  }
.LBB2_2:
0xee: {  	[tilespmem:s8], [sflag:$0x8] =	stream.indirect.gather [hbm4b:s1+s29], $0x80, s26, s29, $0xb8;
	[tilespmem:$0x19000] =	vst v63  }
0xef: {  	s26 =	smov.u32 s4  }
0xf0: {  	p0 =	sne.s32 s4, $0xC000;
	s4 =	sadd.s32 $0x1800, s4;
	_ =	swait.ge [sflag:s9], $0x1900  }
0xf1: {  	[sflag:s9] =	ssyncset.done $0x0  }
0xf2: {  	[sflag:s9] =	ssyncadd.s32 $0xFFFFE700  }
0xf3: {  	[hbm4b:s28+s3] =	stream.linear.scatter [tilespmem:s30], [sflag:$0x1], $0x1900, $0x38;
	[tilespmem:$0x19000] =	vst v63  }
0xf4: {  	_ =	swait.ge [sflag:s21], $0x1900  }
0xf5: {  	s26 =	sshra.s32 s26, $0x2;
	[sflag:s21] =	ssyncset.done $0x0  }
0xf6: {  	s25 =	sadd.s32 $0xA00, s26;
	[sflag:s21] =	ssyncadd.s32 $0xFFFFE700  }
0xf7: {  	[tilespmem:s10], [sflag:$0x9] =	stream.indirect.gather [hbm4b:s1+s29], $0x80, s25, s29, $0xb8;
	[tilespmem:$0x19000] =	vst v63  }
0xf8: {  	_ =	swait.ge [sflag:s11], $0x1900  }
0xf9: {  	[sflag:s11] =	ssyncset.done $0x0  }
0xfa: {  	s25 =	sadd.s32 $0x380, s28;
	[sflag:s11] =	ssyncadd.s32 $0xFFFFE700  }
0xfb: {  	[hbm4b:s25+s3] =	stream.linear.scatter [tilespmem:s2], [sflag:$0x2], $0x1900, $0x38;
	[tilespmem:$0x19000] =	vst v63  }
0xfc: {  	_ =	swait.ge [sflag:s22], $0x1900  }
0xfd: {  	[sflag:s22] =	ssyncset.done $0x0  }
0xfe: {  	s25 =	sadd.s32 $0xA80, s26;
	[sflag:s22] =	ssyncadd.s32 $0xFFFFE700  }
0xff: {  	[tilespmem:s12], [sflag:$0xA] =	stream.indirect.gather [hbm4b:s1+s29], $0x80, s25, s29, $0xb8;
	[tilespmem:$0x19000] =	vst v63  }
0x100: {  	_ =	swait.ge [sflag:s13], $0x1900  }
0x101: {  	[sflag:s13] =	ssyncset.done $0x0  }
0x102: {  	s25 =	sadd.s32 $0x700, s28;
	[sflag:s13] =	ssyncadd.s32 $0xFFFFE700  }
0x103: {  	[hbm4b:s25+s3] =	stream.linear.scatter [tilespmem:s31], [sflag:$0x3], $0x1900, $0x38;
	[tilespmem:$0x19000] =	vst v63  }
0x104: {  	_ =	swait.ge [sflag:s23], $0x1900  }
0x105: {  	[sflag:s23] =	ssyncset.done $0x0  }
0x106: {  	s25 =	sadd.s32 $0xB00, s26;
	[sflag:s23] =	ssyncadd.s32 $0xFFFFE700  }
0x107: {  	[tilespmem:s14], [sflag:$0xB] =	stream.indirect.gather [hbm4b:s1+s29], $0x80, s25, s29, $0xb8;
	[tilespmem:$0x19000] =	vst v63  }
0x108: {  	_ =	swait.ge [sflag:s15], $0x1900  }
0x109: {  	[sflag:s15] =	ssyncset.done $0x0  }
0x10a: {  	s25 =	sadd.s32 $0xA80, s28;
	[sflag:s15] =	ssyncadd.s32 $0xFFFFE700  }
0x10b: {  	[hbm4b:s25+s3] =	stream.linear.scatter [tilespmem:s0], [sflag:$0x4], $0x1900, $0x38;
	[tilespmem:$0x19000] =	vst v63  }
0x10c: {  	_ =	swait.ge [sflag:s24], $0x1900  }
0x10d: {  	[sflag:s24] =	ssyncset.done $0x0  }
0x10e: {  	s25 =	sadd.s32 $0xB80, s26;
	[sflag:s24] =	ssyncadd.s32 $0xFFFFE700  }
0x10f: {  	[tilespmem:s16], [sflag:$0xC] =	stream.indirect.gather [hbm4b:s1+s29], $0x80, s25, s29, $0xb8;
	[tilespmem:$0x19000] =	vst v63  }
0x110: {  	_ =	swait.ge [sflag:s17], $0x1900  }
0x111: {  	[sflag:s17] =	ssyncset.done $0x0  }
0x112: {  	s25 =	sadd.s32 $0xE00, s28;
	[sflag:s17] =	ssyncadd.s32 $0xFFFFE700  }
0x113: {  	[hbm4b:s25+s3] =	stream.linear.scatter [tilespmem:s5], [sflag:$0x5], $0x1900, $0x38;
	[tilespmem:$0x19000] =	vst v63  }
0x114: {  	_ =	swait.ge [sflag:s9], $0x1900  }
0x115: {  	[sflag:s9] =	ssyncset.done $0x0  }
0x116: {  	s25 =	sadd.s32 $0xC00, s26;
	[sflag:s9] =	ssyncadd.s32 $0xFFFFE700  }
0x117: {  	[tilespmem:s30], [sflag:$0x1] =	stream.indirect.gather [hbm4b:s1+s29], $0x80, s25, s29, $0xb8;
	[tilespmem:$0x19000] =	vst v63  }
0x118: {  	_ =	swait.ge [sflag:s18], $0x1900  }
0x119: {  	[sflag:s18] =	ssyncset.done $0x0  }
0x11a: {  	s25 =	sadd.s32 $0x1180, s28;
	[sflag:s18] =	ssyncadd.s32 $0xFFFFE700  }
0x11b: {  	[hbm4b:s25+s3] =	stream.linear.scatter [tilespmem:s6], [sflag:$0x6], $0x1900, $0x38;
	[tilespmem:$0x19000] =	vst v63  }
0x11c: {  	_ =	swait.ge [sflag:s11], $0x1900  }
0x11d: {  	[sflag:s11] =	ssyncset.done $0x0  }
0x11e: {  	s25 =	sadd.s32 $0xC80, s26;
	[sflag:s11] =	ssyncadd.s32 $0xFFFFE700  }
0x11f: {  	[tilespmem:s2], [sflag:$0x2] =	stream.indirect.gather [hbm4b:s1+s29], $0x80, s25, s29, $0xb8;
	[tilespmem:$0x19000] =	vst v63  }
0x120: {  	_ =	swait.ge [sflag:s19], $0x1900  }
0x121: {  	[sflag:s19] =	ssyncset.done $0x0  }
0x122: {  	s25 =	sadd.s32 $0x1500, s28;
	[sflag:s19] =	ssyncadd.s32 $0xFFFFE700  }
0x123: {  	[hbm4b:s25+s3] =	stream.linear.scatter [tilespmem:s7], [sflag:$0x7], $0x1900, $0x38;
	[tilespmem:$0x19000] =	vst v63  }
0x124: {  	_ =	swait.ge [sflag:s13], $0x1900  }
0x125: {  	[sflag:s13] =	ssyncset.done $0x0  }
0x126: {  	s25 =	sadd.s32 $0xD00, s26;
	[sflag:s13] =	ssyncadd.s32 $0xFFFFE700  }
0x127: {  	[tilespmem:s31], [sflag:$0x3] =	stream.indirect.gather [hbm4b:s1+s29], $0x80, s25, s29, $0xb8;
	[tilespmem:$0x19000] =	vst v63  }
0x128: {  	_ =	swait.ge [sflag:s20], $0x1900  }
0x129: {  	[sflag:s20] =	ssyncset.done $0x0  }
0x12a: {  	s25 =	sadd.s32 $0x1880, s28;
	[sflag:s20] =	ssyncadd.s32 $0xFFFFE700  }
0x12b: {  	[hbm4b:s25+s3] =	stream.linear.scatter [tilespmem:s8], [sflag:$0x8], $0x1900, $0x38;
	[tilespmem:$0x19000] =	vst v63  }
0x12c: {  	_ =	swait.ge [sflag:s15], $0x1900  }
0x12d: {  	[sflag:s15] =	ssyncset.done $0x0  }
0x12e: {  	s25 =	sadd.s32 $0xD80, s26;
	[sflag:s15] =	ssyncadd.s32 $0xFFFFE700  }
0x12f: {  	[tilespmem:s0], [sflag:$0x4] =	stream.indirect.gather [hbm4b:s1+s29], $0x80, s25, s29, $0xb8;
	[tilespmem:$0x19000] =	vst v63  }
0x130: {  	_ =	swait.ge [sflag:s21], $0x1900  }
0x131: {  	[sflag:s21] =	ssyncset.done $0x0  }
0x132: {  	s25 =	sadd.s32 $0x1C00, s28;
	[sflag:s21] =	ssyncadd.s32 $0xFFFFE700  }
0x133: {  	[hbm4b:s25+s3] =	stream.linear.scatter [tilespmem:s10], [sflag:$0x9], $0x1900, $0x38;
	[tilespmem:$0x19000] =	vst v63  }
0x134: {  	_ =	swait.ge [sflag:s17], $0x1900  }
0x135: {  	[sflag:s17] =	ssyncset.done $0x0  }
0x136: {  	s25 =	sadd.s32 $0xE00, s26;
	[sflag:s17] =	ssyncadd.s32 $0xFFFFE700  }
0x137: {  	[tilespmem:s5], [sflag:$0x5] =	stream.indirect.gather [hbm4b:s1+s29], $0x80, s25, s29, $0xb8;
	[tilespmem:$0x19000] =	vst v63  }
0x138: {  	_ =	swait.ge [sflag:s22], $0x1900  }
0x139: {  	[sflag:s22] =	ssyncset.done $0x0  }
0x13a: {  	s25 =	sadd.s32 $0x1F80, s28;
	[sflag:s22] =	ssyncadd.s32 $0xFFFFE700  }
0x13b: {  	[hbm4b:s25+s3] =	stream.linear.scatter [tilespmem:s12], [sflag:$0xA], $0x1900, $0x38;
	[tilespmem:$0x19000] =	vst v63  }
0x13c: {  	_ =	swait.ge [sflag:s18], $0x1900  }
0x13d: {  	[sflag:s18] =	ssyncset.done $0x0  }
0x13e: {  	s25 =	sadd.s32 $0xE80, s26;
	[sflag:s18] =	ssyncadd.s32 $0xFFFFE700  }
0x13f: {  	[tilespmem:s6], [sflag:$0x6] =	stream.indirect.gather [hbm4b:s1+s29], $0x80, s25, s29, $0xb8;
	[tilespmem:$0x19000] =	vst v63  }
0x140: {  	_ =	swait.ge [sflag:s23], $0x1900  }
0x141: {  	[sflag:s23] =	ssyncset.done $0x0  }
0x142: {  	s25 =	sadd.s32 $0x2300, s28;
	[sflag:s23] =	ssyncadd.s32 $0xFFFFE700  }
0x143: {  	[hbm4b:s25+s3] =	stream.linear.scatter [tilespmem:s14], [sflag:$0xB], $0x1900, $0x38;
	[tilespmem:$0x19000] =	vst v63  }
0x144: {  	_ =	swait.ge [sflag:s19], $0x1900  }
0x145: {  	[sflag:s19] =	ssyncset.done $0x0  }
0x146: {  	s25 =	sadd.s32 $0xF00, s26;
	[sflag:s19] =	ssyncadd.s32 $0xFFFFE700  }
0x147: {  	[tilespmem:s7], [sflag:$0x7] =	stream.indirect.gather [hbm4b:s1+s29], $0x80, s25, s29, $0xb8;
	[tilespmem:$0x19000] =	vst v63  }
0x148: {  	_ =	swait.ge [sflag:s24], $0x1900  }
0x149: {  	[sflag:s24] =	ssyncset.done $0x0  }
.Ltmp0:
0x14a: {  	s25 =	sadd.s32 $0x2680, s28;
	[sflag:s24] =	ssyncadd.s32 $0xFFFFE700;
	(pc) =	sbr.rel @p0 .LBB2_2-.Ltmp0, $4  }
0x14b: {  	[hbm4b:s25+s3] =	stream.linear.scatter [tilespmem:s16], [sflag:$0xC], $0x1900, $0x38;
	[tilespmem:$0x19000] =	vst v63  }
0x14c: {  	_ =	swait.ge [sflag:s20], $0x1900  }
0x14d: {  	[sflag:s20] =	ssyncset.done $0x0  }
0x14e: {  	s26 =	sadd.s32 $0xF80, s26;
	s28 =	sadd.s32 $0x2A00, s28;
	[sflag:s20] =	ssyncadd.s32 $0xFFFFE700  }
0x14f: {  	[tilespmem:s8], [sflag:$0x8] =	stream.indirect.gather [hbm4b:s1+s29], $0x80, s26, s29, $0xb8;
	[tilespmem:$0x19000] =	vst v63  }
0x150: {  	_ =	swait.ge [sflag:s9], $0x1900  }
0x151: {  	[sflag:s9] =	ssyncset.done $0x0  }
0x152: {  	s4 =	rddreg [dreg:$0x10];
	[sflag:s9] =	ssyncadd.s32 $0xFFFFE700  }
0x153: {  	[hbm4b:s4+s3] =	stream.linear.scatter [tilespmem:s30], [sflag:$0x1], $0x1900, $0x38;
	[tilespmem:$0x19000] =	vst v63  }
0x154: {  	_ =	swait.ge [sflag:s11], $0x1900  }
0x155: {  	[sflag:s11] =	ssyncset.done $0x0  }
0x156: {  	s26 =	rddreg [dreg:$0x11];
	[sflag:s11] =	ssyncadd.s32 $0xFFFFE700  }
0x157: {  	[hbm4b:s26+s3] =	stream.linear.scatter [tilespmem:s2], [sflag:$0x2], $0x1900, $0x38;
	[tilespmem:$0x19000] =	vst v63  }
0x158: {  	_ =	swait.ge [sflag:s13], $0x1900  }
0x159: {  	[sflag:s13] =	ssyncset.done $0x0  }
0x15a: {  	s28 =	rddreg [dreg:$0x12];
	[sflag:s13] =	ssyncadd.s32 $0xFFFFE700  }
0x15b: {  	[hbm4b:s28+s3] =	stream.linear.scatter [tilespmem:s31], [sflag:$0x3], $0x1900, $0x38;
	[tilespmem:$0x19000] =	vst v63  }
0x15c: {  	_ =	swait.ge [sflag:s15], $0x1900  }
0x15d: {  	[sflag:s15] =	ssyncset.done $0x0  }
0x15e: {  	s25 =	rddreg [dreg:$0x13];
	[sflag:s15] =	ssyncadd.s32 $0xFFFFE700  }
0x15f: {  	[hbm4b:s25+s3] =	stream.linear.scatter [tilespmem:s0], [sflag:$0x4], $0x1900, $0x38;
	[tilespmem:$0x19000] =	vst v63  }
0x160: {  	_ =	swait.ge [sflag:s17], $0x1900  }
0x161: {  	[sflag:s17] =	ssyncset.done $0x0  }
0x162: {  	s26 =	rddreg [dreg:$0x14];
	[sflag:s17] =	ssyncadd.s32 $0xFFFFE700  }
0x163: {  	[hbm4b:s26+s3] =	stream.linear.scatter [tilespmem:s5], [sflag:$0x5], $0x1900, $0x38;
	[tilespmem:$0x19000] =	vst v63  }
0x164: {  	_ =	swait.ge [sflag:s18], $0x1900  }
0x165: {  	[sflag:s18] =	ssyncset.done $0x0  }
0x166: {  	s28 =	rddreg [dreg:$0x15];
	[sflag:s18] =	ssyncadd.s32 $0xFFFFE700  }
0x167: {  	[hbm4b:s28+s3] =	stream.linear.scatter [tilespmem:s6], [sflag:$0x6], $0x1900, $0x38;
	[tilespmem:$0x19000] =	vst v63  }
0x168: {  	_ =	swait.ge [sflag:s19], $0x1900  }
0x169: {  	[sflag:s19] =	ssyncset.done $0x0  }
0x16a: {  	s25 =	rddreg [dreg:$0x16];
	[sflag:s19] =	ssyncadd.s32 $0xFFFFE700  }
0x16b: {  	[hbm4b:s25+s3] =	stream.linear.scatter [tilespmem:s7], [sflag:$0x7], $0x1900, $0x38;
	[tilespmem:$0x19000] =	vst v63  }
0x16c: {  	_ =	swait.ge [sflag:s20], $0x1900  }
0x16d: {  	[sflag:s20] =	ssyncset.done $0x0  }
0x16e: {  	s26 =	rddreg [dreg:$0x17];
	[sflag:s20] =	ssyncadd.s32 $0xFFFFE700  }
0x16f: {  	[hbm4b:s26+s3] =	stream.linear.scatter [tilespmem:s8], [sflag:$0x8], $0x1900, $0x38;
	[tilespmem:$0x19000] =	vst v63  }
0x170: {  	_ =	swait.ge [sflag:s21], $0x1900  }
0x171: {  	[sflag:s21] =	ssyncset.done $0x0  }
0x172: {  	[sflag:s21] =	ssyncadd.s32 $0xFFFFE700  }
0x173: {  	_ =	swait.ge [sflag:s22], $0x1900  }
0x174: {  	[sflag:s22] =	ssyncset.done $0x0  }
0x175: {  	[sflag:s22] =	ssyncadd.s32 $0xFFFFE700  }
0x176: {  	_ =	swait.ge [sflag:s23], $0x1900  }
0x177: {  	[sflag:s23] =	ssyncset.done $0x0  }
0x178: {  	[sflag:s23] =	ssyncadd.s32 $0xFFFFE700  }
0x179: {  	_ =	swait.ge [sflag:s24], $0x1900  }
0x17a: {  	[sflag:s24] =	ssyncset.done $0x0  }
0x17b: {  	[sflag:s24] =	ssyncadd.s32 $0xFFFFE700  }
0x17c: {  	_ =	swait.ge [sflag:s9], $0x1900  }
0x17d: {  	[sflag:s9] =	ssyncset.done $0x0  }
0x17e: {  	[sflag:s9] =	ssyncadd.s32 $0xFFFFE700  }
0x17f: {  	_ =	swait.ge [sflag:s11], $0x1900  }
0x180: {  	[sflag:s11] =	ssyncset.done $0x0  }
0x181: {  	[sflag:s11] =	ssyncadd.s32 $0xFFFFE700  }
0x182: {  	_ =	swait.ge [sflag:s13], $0x1900  }
0x183: {  	[sflag:s13] =	ssyncset.done $0x0  }
0x184: {  	[sflag:s13] =	ssyncadd.s32 $0xFFFFE700  }
0x185: {  	_ =	swait.ge [sflag:s15], $0x1900  }
0x186: {  	[sflag:s15] =	ssyncset.done $0x0  }
0x187: {  	[sflag:s15] =	ssyncadd.s32 $0xFFFFE700  }
0x188: {  	_ =	swait.ge [sflag:s17], $0x1900  }
0x189: {  	[sflag:s17] =	ssyncset.done $0x0  }
0x18a: {  	[sflag:s17] =	ssyncadd.s32 $0xFFFFE700  }
0x18b: {  	_ =	swait.ge [sflag:s18], $0x1900  }
0x18c: {  	[sflag:s18] =	ssyncset.done $0x0  }
0x18d: {  	[sflag:s18] =	ssyncadd.s32 $0xFFFFE700  }
0x18e: {  	_ =	swait.ge [sflag:s19], $0x1900  }
0x18f: {  	[sflag:s19] =	ssyncset.done $0x0  }
0x190: {  	[sflag:s19] =	ssyncadd.s32 $0xFFFFE700  }
0x191: {  	_ =	swait.ge [sflag:s20], $0x1900  }
0x192: {  	s25 =	rddreg [dreg:$0x1b]  }
0x193: {  	s28 =	rddreg [dreg:$0x18];
	s25 =	sadd.s32 $0x1, s25  }
0x194: {  	p0 =	sne.s32 s25, s28  }
.Ltmp1:
0x195: {  	_ = 	snop;
	(pc) =	sbr.rel @p0 .LBB2_1-.Ltmp1, $3  }
0x196: {  	_ =	sdelay $0x1  }
0x197: {  	[sflag:s20] =	ssyncset.done $0x0  }
0x198: {  	[sflag:s20] =	ssyncadd.s32 $0xFFFFE700  }
0x199: {  	_ =	sfence.sel $0x180000  }
0x19a: {  	[bflag:$0x0] =	sbarrier.arrive $0xFFFF  }
0x19b: {  	_ =	strace $0x90000047  }
0x19c: {  	s0 =	stileid.u32;
	[bflag:$0x2] =	sbarrier.arrive $0xFFFF  }
0x19d: {  	p0 =	sne.s32 s0, $0x0;
	s0 =	rddreg [dreg:$0x3]  }
0x19e: {  	s0 =	sadd.s32 @!p0 $0x100000, s0  }
0x19f: {  	[sflag:s0] =	ssyncadd.tile.s32 @!p0 $0x1;
	_ =	shalt  }
.Lfunc_end2:
_tile_overlayer_lowered:
.L_overlay_start_2:
0x1a0: {  	(tag) =	ssettag $0x2  }
0x1a1: {  	s0 =	rddreg [dreg:$0x0];
	s2 =	stileid.u32  }
0x1a2: {  	s1 =	rddreg [dreg:$0x1];
	p0 =	sne.s32 s2, $0x0  }
0x1a3: {  	s3 =	rddreg [dreg:$0x2];
	[bflag:$0x3] =	sbarrier.arrive $0xFFFF;
	s2 =	simm.s32 @!p0 $0x1C0D  }
0x1a4: {  	[timem:s3], [sflag:s2] =	dma.local @!p0 [hbm:s0], s1  }
0x1a5: {  	s0 =	simm.s32 @!p0 $0xD  }
0x1a6: {  	_ =	swait.ge @!p0 [sflag:s0], s1  }
0x1a7: {  	s1 =	ssub.s32 @!p0 $0x0, s1;
	[sflag:s0] =	ssyncset.done @!p0 $0x0  }
0x1a8: {  	[sflag:s0] =	ssyncadd.s32 @!p0 s1  }
0x1a9: {  	[bflag:$0x3] =	sbarrier.arrive $0xFFFF  }
0x1aa: {  	_ =	shalt  }

</sc_bundles>
